<compile_context>
chip_gen: v7x
topology: tpu7x:2x2x1
jax: 0.10.2.dev20260603
libtpu: 0.0.44.dev20260713+nightly
codegen_flags: <defaults>
</compile_context>

<pallas_src>
import functools
import jax
import jax.numpy as jnp
import numpy as np
from jax.experimental import pallas as pl
from jax.experimental.pallas import tpu as pltpu
from jax.experimental.pallas import tpu_sc as plsc

_B, _T, _S = 1, 2048, 2048
_EMB, _QLORA = 2048, 1536
_H, _D, _ROPE, _TOPK = 16, 128, 64, 64
_HALF = _ROPE // 2
_MASK_VAL = -0.7 * float(np.finfo(np.float32).max)

_ST = 512
_TT = 256


def _rope_rotate(x, cos, sin):
    x1 = x[:, 0:_HALF]
    x2 = x[:, _HALF:_ROPE]
    rest = x[:, _ROPE:]
    return jnp.concatenate([x1 * cos - x2 * sin, x2 * cos + x1 * sin, rest], axis=1)


def _k_kernel(kv_ref, wk_ref, cos_ref, sin_ref, ls_ref, lb_ref, k_ref):
    x = jnp.dot(kv_ref[...], wk_ref[...], preferred_element_type=jnp.float32)
    mean = jnp.mean(x, axis=1, keepdims=True)
    var = jnp.mean((x - mean) ** 2, axis=1, keepdims=True)
    x = (x - mean) * jax.lax.rsqrt(var + 1e-6) * ls_ref[...] + lb_ref[...]
    k_ref[...] = _rope_rotate(x, cos_ref[...], sin_ref[...])


def _score_kernel(lrq_ref, wqb_ref, xq_ref, wproj_ref, k_ref, cos_ref, sin_ref,
                  score_ref):
    q = jnp.dot(lrq_ref[...], wqb_ref[...], preferred_element_type=jnp.float32)
    w = jnp.dot(xq_ref[...], wproj_ref[...], preferred_element_type=jnp.float32)
    w = w * (_H ** (-0.5) * _D ** (-0.5))
    cos = cos_ref[...]
    sin = sin_ref[...]
    k = k_ref[...]
    acc = jnp.zeros((_TT, _S), jnp.float32)
    for h in range(_H):
        qh = _rope_rotate(q[:, h * _D:(h + 1) * _D], cos, sin)
        lg = jax.lax.dot_general(qh, k, (((1,), (1,)), ((), ())),
                                 preferred_element_type=jnp.float32)
        acc = acc + jnp.maximum(lg, 0.0) * w[:, h:h + 1]
    score_ref[...] = acc


_NC, _NS, _L = 2, 16, 16
_NW = _NC * _NS
_RPW = _T // _NW
_RB = 8
_NCH = _S // 64


def _rev(x):
    return jax.lax.rev(x, dimensions=(0,))


def _cmpx(ka, ia, kb, ib):
    m = ka >= kb
    return (jnp.where(m, kb, ka), jnp.where(m, ib, ia),
            jnp.where(m, ka, kb), jnp.where(m, ia, ib))


def _vsort(k, i):
    return plsc.sort_key_val(k, i)


def _merge16(a, b):
    bk, bi = _rev(b[0]), _rev(b[1])
    lk, li, hk, hi = _cmpx(a[0], a[1], bk, bi)
    return _vsort(lk, li), _vsort(hk, hi)


def _sort64(ks, is_):
    s = [_vsort(ks[j], is_[j]) for j in range(4)]
    a0, a1 = _merge16(s[0], s[1])
    b0, b1 = _merge16(s[2], s[3])
    rb1k, rb1i = _rev(b1[0]), _rev(b1[1])
    rb0k, rb0i = _rev(b0[0]), _rev(b0[1])
    l0k, l0i, h0k, h0i = _cmpx(a0[0], a0[1], rb1k, rb1i)
    l1k, l1i, h1k, h1i = _cmpx(a1[0], a1[1], rb0k, rb0i)
    m0k, m0i, m1k, m1i = _cmpx(l0k, l0i, l1k, l1i)
    n0k, n0i, n1k, n1i = _cmpx(h0k, h0i, h1k, h1i)
    r = [_vsort(m0k, m0i), _vsort(m1k, m1i), _vsort(n0k, n0i), _vsort(n1k, n1i)]
    return [x[0] for x in r], [x[1] for x in r]


def _merge_top(tk, ti, ck, ci):
    rck = [_rev(ck[3]), _rev(ck[2]), _rev(ck[1]), _rev(ck[0])]
    rci = [_rev(ci[3]), _rev(ci[2]), _rev(ci[1]), _rev(ci[0])]
    hk, hi = [], []
    for j in range(4):
        m = tk[j] >= rck[j]
        hk.append(jnp.where(m, tk[j], rck[j]))
        hi.append(jnp.where(m, ti[j], rci[j]))
    l0k, l0i, h2k, h2i = _cmpx(hk[0], hi[0], hk[2], hi[2])
    l1k, l1i, h3k, h3i = _cmpx(hk[1], hi[1], hk[3], hi[3])
    a0k, a0i, a1k, a1i = _cmpx(l0k, l0i, l1k, l1i)
    a2k, a2i, a3k, a3i = _cmpx(h2k, h2i, h3k, h3i)
    r = [_vsort(a0k, a0i), _vsort(a1k, a1i), _vsort(a2k, a2i), _vsort(a3k, a3i)]
    return [x[0] for x in r], [x[1] for x in r]


def _sc_topk_body(score_hbm, idx_hbm, mask_hbm, rows_v, idxs_v, masks_v):
    w = jax.lax.axis_index("s") * _NC + jax.lax.axis_index("c")
    lane = jax.lax.iota(jnp.int32, _L)
    dflt = jnp.full((_L,), _MASK_VAL, jnp.float32)
    zero = jnp.zeros((_L,), jnp.float32)

    for r in range(_RB):
        def init_body(i, carry):
            masks_v[r, pl.ds(i * _L, _L)] = dflt
            return carry
        jax.lax.fori_loop(0, _S // _L, init_body, 0)

    def batch_body(b, carry0):
        row0 = w * _RPW + b * _RB
        pltpu.sync_copy(score_hbm.at[pl.ds(row0, _RB)], rows_v)

        def pair_body(p, carry1):
            init = []
            for rr in range(2):
                r = p * 2 + rr
                ks = [rows_v[r, pl.ds(j * _L, _L)] for j in range(4)]
                tk, ti = _sort64(ks, [lane + j * _L for j in range(4)])
                init.extend(tk + ti)

            def chunk_body(c, carry2):
                base = c * 64
                out = []
                for rr in range(2):
                    tk = list(carry2[rr * 8: rr * 8 + 4])
                    ti = list(carry2[rr * 8 + 4: rr * 8 + 8])
                    r = p * 2 + rr
                    raw = [rows_v[r, pl.ds(base + j * _L, _L)] for j in range(4)]
                    ck, ci = _sort64(raw,
                                     [lane + base + j * _L for j in range(4)])
                    nk, ni = _merge_top(tk, ti, ck, ci)
                    out.extend(tuple(nk) + tuple(ni))
                return tuple(out)

            fin = jax.lax.fori_loop(1, _NCH, chunk_body, tuple(init))
            for rr in range(2):
                r = p * 2 + rr
                rsplat = jnp.full((_L,), r, jnp.int32)
                tk = list(fin[rr * 8: rr * 8 + 4])
                ti = list(fin[rr * 8 + 4: rr * 8 + 8])
                for j in range(4):
                    idxs_v[r, pl.ds(j * _L, _L)] = _rev(ti[3 - j])
                for j in range(4):
                    plsc.store_scatter(masks_v, [rsplat, ti[j]], zero)
            return carry1

        jax.lax.fori_loop(0, _RB // 2, pair_body, 0)

        pltpu.sync_copy(idxs_v, idx_hbm.at[pl.ds(row0, _RB)])
        pltpu.sync_copy(masks_v, mask_hbm.at[pl.ds(row0, _RB)])

        def restore_body(r, carry1):
            rsplat = jnp.full((_L,), r, jnp.int32)
            for j in range(4):
                ij = idxs_v[r, pl.ds(j * _L, _L)]
                plsc.store_scatter(masks_v, [rsplat, ij], dflt)
            return carry1

        jax.lax.fori_loop(0, _RB, restore_body, 0)
        return carry0

    jax.lax.fori_loop(0, _RPW // _RB, batch_body, 0)


def kernel(inputs_q, low_rank_q, inputs_kv, inputs_positions, wq_b, wk, wproj,
           ln_scale, ln_bias):
    xq = inputs_q[0]
    lrq = low_rank_q[0]
    kv = inputs_kv[0]
    pos = inputs_positions[0]
    wqb2 = wq_b.reshape(_QLORA, _H * _D)
    ls = ln_scale.reshape(1, _D)
    lb = ln_bias.reshape(1, _D)

    inv_freq = 1.0 / (10000.0 ** (jnp.arange(0, _ROPE, 2, dtype=jnp.float32) / _ROPE))
    freqs = pos.astype(jnp.float32)[:, None] * inv_freq[None, :]
    cos_t = jnp.cos(freqs)
    sin_t = jnp.sin(freqs)

    k = pl.pallas_call(
        _k_kernel,
        grid=(_S // _ST,),
        in_specs=[
            pl.BlockSpec((_ST, _EMB), lambda i: (i, 0)),
            pl.BlockSpec((_EMB, _D), lambda i: (0, 0)),
            pl.BlockSpec((_ST, _HALF), lambda i: (i, 0)),
            pl.BlockSpec((_ST, _HALF), lambda i: (i, 0)),
            pl.BlockSpec((1, _D), lambda i: (0, 0)),
            pl.BlockSpec((1, _D), lambda i: (0, 0)),
        ],
        out_specs=pl.BlockSpec((_ST, _D), lambda i: (i, 0)),
        out_shape=jax.ShapeDtypeStruct((_S, _D), jnp.float32),
    )(kv, wk, cos_t, sin_t, ls, lb)

    score = pl.pallas_call(
        _score_kernel,
        grid=(_T // _TT,),
        in_specs=[
            pl.BlockSpec((_TT, _QLORA), lambda i: (i, 0)),
            pl.BlockSpec((_QLORA, _H * _D), lambda i: (0, 0)),
            pl.BlockSpec((_TT, _EMB), lambda i: (i, 0)),
            pl.BlockSpec((_EMB, _H), lambda i: (0, 0)),
            pl.BlockSpec((_S, _D), lambda i: (0, 0)),
            pl.BlockSpec((_TT, _HALF), lambda i: (i, 0)),
            pl.BlockSpec((_TT, _HALF), lambda i: (i, 0)),
        ],
        out_specs=pl.BlockSpec((_TT, _S), lambda i: (i, 0)),
        out_shape=jax.ShapeDtypeStruct((_T, _S), jnp.float32),
    )(lrq, wqb2, xq, wproj, k, cos_t, sin_t)

    topk_fn = pl.kernel(
        _sc_topk_body,
        out_type=(
            jax.ShapeDtypeStruct((_T, _TOPK), jnp.int32),
            jax.ShapeDtypeStruct((_T, _S), jnp.float32),
        ),
        mesh=plsc.VectorSubcoreMesh(core_axis_name="c", subcore_axis_name="s"),
        scratch_types=[
            pltpu.VMEM((_RB, _S), jnp.float32),
            pltpu.VMEM((_RB, _TOPK), jnp.int32),
            pltpu.VMEM((_RB, _S), jnp.float32),
        ],
        compiler_params=pltpu.CompilerParams(needs_layout_passes=False),
    )
    idx, mask = topk_fn(score)

    return (mask[None], idx[None], score[None])

# --- scband reference (transcript-rebuilt; emitter-appended) ---
"""Pipeline reference for scband-indexer-48447231098919 (READ-ONLY COPY).

The authoritative reference and input builder live on the scoring server;
editing this copy changes nothing except your own understanding.
"""

import jax, jax.numpy as jnp
import numpy as np

B, T, S = 1, 2048, 2048
EMB, QLORA = 2048, 1536
H, D, ROPE, TOPK = 16, 128, 64, 64
DEFAULT_MASK_VALUE = -0.7 * float(np.finfo(np.float32).max)


def apply_rope(x, positions):
    # x: [b, s, h, rope_dim]; concatenated (non-interleaved) half layout
    d = x.shape[-1]
    inv_freq = 1.0 / (10000.0 ** (jnp.arange(0, d, 2, dtype=jnp.float32) / d))
    freqs = positions.astype(jnp.float32)[..., None] * inv_freq  # [b, s, d/2]
    cos = jnp.cos(freqs)[:, :, None, :]
    sin = jnp.sin(freqs)[:, :, None, :]
    x1, x2 = jnp.split(x, 2, axis=-1)
    return jnp.concatenate([x1 * cos - x2 * sin, x2 * cos + x1 * sin], axis=-1)


def partial_rope(x, positions):
    # Indexer splits head dim as [rope, nope]
    x_pe, x_nope = jnp.split(x, [ROPE], axis=-1)
    x_pe = apply_rope(x_pe, positions)
    return jnp.concatenate([x_pe, x_nope], axis=-1)


def layernorm(x, scale, bias, eps=1e-6):
    mean = jnp.mean(x, axis=-1, keepdims=True)
    var = jnp.var(x, axis=-1, keepdims=True)
    return (x - mean) * jax.lax.rsqrt(var + eps) * scale + bias


def setup_inputs(seed: int = 0) -> dict:
    key = jax.random.key(seed)
    ks = jax.random.split(key, 6)
    inputs_q = jax.random.normal(ks[0], (B, T, EMB), dtype=jnp.float32)
    low_rank_q = jax.random.normal(ks[1], (B, T, QLORA), dtype=jnp.float32)
    inputs_kv = jax.random.normal(ks[2], (B, S, EMB), dtype=jnp.float32)
    inputs_positions = jnp.arange(B * S).reshape(B, S).astype(jnp.int32)
    wq_b = jax.random.normal(ks[3], (QLORA, H, D), dtype=jnp.float32) / np.sqrt(QLORA)
    wk = jax.random.normal(ks[4], (EMB, D), dtype=jnp.float32) / np.sqrt(EMB)
    wproj = jax.random.normal(ks[5], (EMB, H), dtype=jnp.float32) / np.sqrt(EMB)
    ln_scale = jnp.ones((D,), dtype=jnp.float32)
    ln_bias = jnp.zeros((D,), dtype=jnp.float32)
    return {
        'inputs_q': inputs_q,
        'low_rank_q': low_rank_q,
        'inputs_kv': inputs_kv,
        'inputs_positions': inputs_positions,
        'wq_b': wq_b,
        'wk': wk,
        'wproj': wproj,
        'ln_scale': ln_scale,
        'ln_bias': ln_bias,
    }


def reference(inputs_q, low_rank_q, inputs_kv, inputs_positions, wq_b, wk, wproj, ln_scale, ln_bias):
    softmax_scale = D ** (-0.5)
    # 1. Q = RoPE(Wq_b @ q_lora)
    q = jnp.einsum('btl,lhd->bthd', low_rank_q, wq_b)
    q = partial_rope(q, inputs_positions)
    # 2. K = RoPE(Norm(Wk @ X)) (MQA-style shared K)
    k = jnp.einsum('bse,ed->bsd', inputs_kv, wk)
    k = layernorm(k, ln_scale, ln_bias)
    k = partial_rope(k[:, :, None, :], inputs_positions)[:, :, 0, :]
    # 3. Logits = ReLU(Q @ K.T)
    logits = jax.nn.relu(jnp.einsum('bthd,bsd->btsh', q, k))
    # 4. Head weights
    weights = jnp.einsum('bte,eh->bth', inputs_q.astype(jnp.float32), wproj) * (H ** (-0.5)) * softmax_scale
    # 5. Aggregate heads
    index_score = jnp.einsum('btsh,bth->bts', logits, weights)
    # Top-k selection + sparse mask
    _, topk_indices = jax.lax.top_k(index_score, TOPK)
    is_topk = (jnp.arange(S) == topk_indices[..., None]).any(axis=-2)
    index_mask = jnp.where(is_topk, jnp.float32(0.0), jnp.float32(DEFAULT_MASK_VALUE))
    return (index_mask, topk_indices, index_score)

if __name__ == "__main__":
    import jax
    _d = setup_inputs()
    print(jax.jit(kernel)(*tuple(_d.values())))

</pallas_src>

<mosaic_0001>
#map = affine_map<(d0, d1) -> (0, 0)>
module attributes {stable_mosaic.version = 14 : i64} {
  func.func @_sc_topk_body(%arg0: i32, %arg1: i32, %arg2: memref<2048x2048xf32, #tpu.memory_space<hbm>>, %arg3: memref<2048x64xi32, #tpu.memory_space<hbm>>, %arg4: memref<2048x2048xf32, #tpu.memory_space<hbm>>, %arg5: memref<8x2048xf32, #tpu.memory_space<vmem>>, %arg6: memref<8x64xi32, #tpu.memory_space<vmem>>, %arg7: memref<8x2048xf32, #tpu.memory_space<vmem>>) attributes {dimension_semantics = [#tpu.dimension_semantics<core_parallel>, #tpu.dimension_semantics<subcore_parallel>], iteration_bounds = array<i64: 2, 16>, scalar_prefetch = 0 : i64, scratch_operands = 3 : i64, tpu.core_type = #tpu.core_type<sc_vector_subcore>, window_params = [{transform_indices = #map}, {transform_indices = #map}, {transform_indices = #map}]} {
    %mul3A = arith.constant 2 : i32
    %mul3A_0 = arith.muli %arg1, %mul3A : i32
    %add3A = arith.addi %mul3A_0, %arg0 : i32
    %iota3A = tpu.iota {dimensions = array<i32: 0>} : vector<16xi32>
    %broadcast_in_dim3A = arith.constant -2.38197633E+38 : f32
    %broadcast_in_dim3A_1 = vector.broadcast %broadcast_in_dim3A : f32 to vector<16xf32>
    %broadcast_in_dim3A_2 = arith.constant 0.000000e+00 : f32
    %broadcast_in_dim3A_3 = vector.broadcast %broadcast_in_dim3A_2 : f32 to vector<16xf32>
    %scan3A = arith.constant 0 : i32
    %scan3A_4 = arith.constant 0 : i32
    %scan3A_5 = arith.constant 128 : i32
    %scan3A_6 = arith.addi %scan3A_4, %scan3A_5 : i32
    %scan3A_7 = arith.constant 1 : i32
    scf.for %scan3A_57 = %scan3A_4 to %scan3A_6 step %scan3A_7  : i32 {
      %mul3A_58 = arith.constant 16 : i32
      %mul3A_59 = arith.muli %scan3A_57, %mul3A_58 : i32
      %swap3A = arith.constant 0 : i32
      %swap3A_60 = arith.index_cast %swap3A : i32 to index
      %swap3A_61 = arith.index_cast %mul3A_59 : i32 to index
      %swap3A_62 = tpu.vector_load %arg7[%swap3A_60, %swap3A_61] {strides = array<i32>} : memref<8x2048xf32, #tpu.memory_space<vmem>>, vector<16xf32>,
      tpu.vector_store %arg7[%swap3A_60, %swap3A_61], %broadcast_in_dim3A_1 {strides = array<i32>} : memref<8x2048xf32, #tpu.memory_space<vmem>>, vector<16xf32>,
    }
    %scan3A_8 = arith.constant 128 : i32
    %scan3A_9 = arith.constant 0 : i32
    %scan3A_10 = arith.constant 0 : i32
    %scan3A_11 = arith.constant 128 : i32
    %scan3A_12 = arith.addi %scan3A_10, %scan3A_11 : i32
    %scan3A_13 = arith.constant 1 : i32
    scf.for %scan3A_57 = %scan3A_10 to %scan3A_12 step %scan3A_13  : i32 {
      %mul3A_58 = arith.constant 16 : i32
      %mul3A_59 = arith.muli %scan3A_57, %mul3A_58 : i32
      %swap3A = arith.constant 1 : i32
      %swap3A_60 = arith.index_cast %swap3A : i32 to index
      %swap3A_61 = arith.index_cast %mul3A_59 : i32 to index
      %swap3A_62 = tpu.vector_load %arg7[%swap3A_60, %swap3A_61] {strides = array<i32>} : memref<8x2048xf32, #tpu.memory_space<vmem>>, vector<16xf32>,
      tpu.vector_store %arg7[%swap3A_60, %swap3A_61], %broadcast_in_dim3A_1 {strides = array<i32>} : memref<8x2048xf32, #tpu.memory_space<vmem>>, vector<16xf32>,
    }
    %scan3A_14 = arith.constant 128 : i32
    %scan3A_15 = arith.constant 0 : i32
    %scan3A_16 = arith.constant 0 : i32
    %scan3A_17 = arith.constant 128 : i32
    %scan3A_18 = arith.addi %scan3A_16, %scan3A_17 : i32
    %scan3A_19 = arith.constant 1 : i32
    scf.for %scan3A_57 = %scan3A_16 to %scan3A_18 step %scan3A_19  : i32 {
      %mul3A_58 = arith.constant 16 : i32
      %mul3A_59 = arith.muli %scan3A_57, %mul3A_58 : i32
      %swap3A = arith.constant 2 : i32
      %swap3A_60 = arith.index_cast %swap3A : i32 to index
      %swap3A_61 = arith.index_cast %mul3A_59 : i32 to index
      %swap3A_62 = tpu.vector_load %arg7[%swap3A_60, %swap3A_61] {strides = array<i32>} : memref<8x2048xf32, #tpu.memory_space<vmem>>, vector<16xf32>,
      tpu.vector_store %arg7[%swap3A_60, %swap3A_61], %broadcast_in_dim3A_1 {strides = array<i32>} : memref<8x2048xf32, #tpu.memory_space<vmem>>, vector<16xf32>,
    }
    %scan3A_20 = arith.constant 128 : i32
    %scan3A_21 = arith.constant 0 : i32
    %scan3A_22 = arith.constant 0 : i32
    %scan3A_23 = arith.constant 128 : i32
    %scan3A_24 = arith.addi %scan3A_22, %scan3A_23 : i32
    %scan3A_25 = arith.constant 1 : i32
    scf.for %scan3A_57 = %scan3A_22 to %scan3A_24 step %scan3A_25  : i32 {
      %mul3A_58 = arith.constant 16 : i32
      %mul3A_59 = arith.muli %scan3A_57, %mul3A_58 : i32
      %swap3A = arith.constant 3 : i32
      %swap3A_60 = arith.index_cast %swap3A : i32 to index
      %swap3A_61 = arith.index_cast %mul3A_59 : i32 to index
      %swap3A_62 = tpu.vector_load %arg7[%swap3A_60, %swap3A_61] {strides = array<i32>} : memref<8x2048xf32, #tpu.memory_space<vmem>>, vector<16xf32>,
      tpu.vector_store %arg7[%swap3A_60, %swap3A_61], %broadcast_in_dim3A_1 {strides = array<i32>} : memref<8x2048xf32, #tpu.memory_space<vmem>>, vector<16xf32>,
    }
    %scan3A_26 = arith.constant 128 : i32
    %scan3A_27 = arith.constant 0 : i32
    %scan3A_28 = arith.constant 0 : i32
    %scan3A_29 = arith.constant 128 : i32
    %scan3A_30 = arith.addi %scan3A_28, %scan3A_29 : i32
    %scan3A_31 = arith.constant 1 : i32
    scf.for %scan3A_57 = %scan3A_28 to %scan3A_30 step %scan3A_31  : i32 {
      %mul3A_58 = arith.constant 16 : i32
      %mul3A_59 = arith.muli %scan3A_57, %mul3A_58 : i32
      %swap3A = arith.constant 4 : i32
      %swap3A_60 = arith.index_cast %swap3A : i32 to index
      %swap3A_61 = arith.index_cast %mul3A_59 : i32 to index
      %swap3A_62 = tpu.vector_load %arg7[%swap3A_60, %swap3A_61] {strides = array<i32>} : memref<8x2048xf32, #tpu.memory_space<vmem>>, vector<16xf32>,
      tpu.vector_store %arg7[%swap3A_60, %swap3A_61], %broadcast_in_dim3A_1 {strides = array<i32>} : memref<8x2048xf32, #tpu.memory_space<vmem>>, vector<16xf32>,
    }
    %scan3A_32 = arith.constant 128 : i32
    %scan3A_33 = arith.constant 0 : i32
    %scan3A_34 = arith.constant 0 : i32
    %scan3A_35 = arith.constant 128 : i32
    %scan3A_36 = arith.addi %scan3A_34, %scan3A_35 : i32
    %scan3A_37 = arith.constant 1 : i32
    scf.for %scan3A_57 = %scan3A_34 to %scan3A_36 step %scan3A_37  : i32 {
      %mul3A_58 = arith.constant 16 : i32
      %mul3A_59 = arith.muli %scan3A_57, %mul3A_58 : i32
      %swap3A = arith.constant 5 : i32
      %swap3A_60 = arith.index_cast %swap3A : i32 to index
      %swap3A_61 = arith.index_cast %mul3A_59 : i32 to index
      %swap3A_62 = tpu.vector_load %arg7[%swap3A_60, %swap3A_61] {strides = array<i32>} : memref<8x2048xf32, #tpu.memory_space<vmem>>, vector<16xf32>,
      tpu.vector_store %arg7[%swap3A_60, %swap3A_61], %broadcast_in_dim3A_1 {strides = array<i32>} : memref<8x2048xf32, #tpu.memory_space<vmem>>, vector<16xf32>,
    }
    %scan3A_38 = arith.constant 128 : i32
    %scan3A_39 = arith.constant 0 : i32
    %scan3A_40 = arith.constant 0 : i32
    %scan3A_41 = arith.constant 128 : i32
    %scan3A_42 = arith.addi %scan3A_40, %scan3A_41 : i32
    %scan3A_43 = arith.constant 1 : i32
    scf.for %scan3A_57 = %scan3A_40 to %scan3A_42 step %scan3A_43  : i32 {
      %mul3A_58 = arith.constant 16 : i32
      %mul3A_59 = arith.muli %scan3A_57, %mul3A_58 : i32
      %swap3A = arith.constant 6 : i32
      %swap3A_60 = arith.index_cast %swap3A : i32 to index
      %swap3A_61 = arith.index_cast %mul3A_59 : i32 to index
      %swap3A_62 = tpu.vector_load %arg7[%swap3A_60, %swap3A_61] {strides = array<i32>} : memref<8x2048xf32, #tpu.memory_space<vmem>>, vector<16xf32>,
      tpu.vector_store %arg7[%swap3A_60, %swap3A_61], %broadcast_in_dim3A_1 {strides = array<i32>} : memref<8x2048xf32, #tpu.memory_space<vmem>>, vector<16xf32>,
    }
    %scan3A_44 = arith.constant 128 : i32
    %scan3A_45 = arith.constant 0 : i32
    %scan3A_46 = arith.constant 0 : i32
    %scan3A_47 = arith.constant 128 : i32
    %scan3A_48 = arith.addi %scan3A_46, %scan3A_47 : i32
    %scan3A_49 = arith.constant 1 : i32
    scf.for %scan3A_57 = %scan3A_46 to %scan3A_48 step %scan3A_49  : i32 {
      %mul3A_58 = arith.constant 16 : i32
      %mul3A_59 = arith.muli %scan3A_57, %mul3A_58 : i32
      %swap3A = arith.constant 7 : i32
      %swap3A_60 = arith.index_cast %swap3A : i32 to index
      %swap3A_61 = arith.index_cast %mul3A_59 : i32 to index
      %swap3A_62 = tpu.vector_load %arg7[%swap3A_60, %swap3A_61] {strides = array<i32>} : memref<8x2048xf32, #tpu.memory_space<vmem>>, vector<16xf32>,
      tpu.vector_store %arg7[%swap3A_60, %swap3A_61], %broadcast_in_dim3A_1 {strides = array<i32>} : memref<8x2048xf32, #tpu.memory_space<vmem>>, vector<16xf32>,
    }
    %scan3A_50 = arith.constant 128 : i32
    %scan3A_51 = arith.constant 0 : i32
    %scan3A_52 = arith.constant 0 : i32
    %scan3A_53 = arith.constant 8 : i32
    %scan3A_54 = arith.addi %scan3A_52, %scan3A_53 : i32
    %scan3A_55 = arith.constant 1 : i32
    scf.for %scan3A_57 = %scan3A_52 to %scan3A_54 step %scan3A_55  : i32 {
      %mul3A_58 = arith.constant 64 : i32
      %mul3A_59 = arith.muli %add3A, %mul3A_58 : i32
      %mul3A_60 = arith.constant 8 : i32
      %mul3A_61 = arith.muli %scan3A_57, %mul3A_60 : i32
      %add3A_62 = arith.addi %mul3A_59, %mul3A_61 : i32
      "tpu.region"() ({
        %run_scoped3A = tpu.sem_alloc : memref<!tpu.dma_semaphore, #tpu.memory_space<semaphore_mem>>
        %dma_start3A = arith.constant 0 : i32
        %dma_start3A_75 = tpu.memref_slice %arg2[%add3A_62, %dma_start3A] : memref<2048x2048xf32, #tpu.memory_space<hbm>> -> memref<8x2048xf32, #tpu.memory_space<hbm>>
        %dma_start3A_76 = arith.constant 0 : i32
        %dma_start3A_77 = tpu.memref_slice %arg2[%add3A_62, %dma_start3A_76] : memref<2048x2048xf32, #tpu.memory_space<hbm>> -> memref<8x2048xf32, #tpu.memory_space<hbm>>
        tpu.enqueue_dma source(%dma_start3A_77 : memref<8x2048xf32, #tpu.memory_space<hbm>>) target(%arg5 : memref<8x2048xf32, #tpu.memory_space<vmem>>) target_semaphore(%run_scoped3A : memref<!tpu.dma_semaphore, #tpu.memory_space<semaphore_mem>>)
        %dma_wait3A = arith.constant 0 : i32
        %dma_wait3A_78 = tpu.memref_slice %arg2[%add3A_62, %dma_wait3A] : memref<2048x2048xf32, #tpu.memory_space<hbm>> -> memref<8x2048xf32, #tpu.memory_space<hbm>>
        %dma_wait3A_79 = arith.constant 0 : i32
        %dma_wait3A_80 = tpu.memref_slice %arg2[%add3A_62, %dma_wait3A_79] : memref<2048x2048xf32, #tpu.memory_space<hbm>> -> memref<8x2048xf32, #tpu.memory_space<hbm>>
        tpu.wait_dma2 semaphore(%run_scoped3A : memref<!tpu.dma_semaphore, #tpu.memory_space<semaphore_mem>>) src(%dma_wait3A_80 : memref<8x2048xf32, #tpu.memory_space<hbm>>) dst(%arg5 : memref<8x2048xf32, #tpu.memory_space<vmem>>)
        tpu.yield
      }) : () -> ()
      %scan3A_63 = arith.constant 0 : i32
      %scan3A_64 = arith.constant 0 : i32
      %scan3A_65 = arith.constant 4 : i32
      %scan3A_66 = arith.addi %scan3A_64, %scan3A_65 : i32
      %scan3A_67 = arith.constant 1 : i32
      scf.for %scan3A_75 = %scan3A_64 to %scan3A_66 step %scan3A_67  : i32 {
        %mul3A_76 = arith.constant 2 : i32
        %mul3A_77 = arith.muli %scan3A_75, %mul3A_76 : i32
        %add3A_78 = arith.constant 0 : i32
        %add3A_79 = arith.addi %mul3A_77, %add3A_78 : i32
        %get3A = arith.index_cast %add3A_79 : i32 to index
        %get3A_80 = arith.constant 0 : index
        %get3A_81 = tpu.vector_load %arg5[%get3A, %get3A_80] {strides = array<i32>} : memref<8x2048xf32, #tpu.memory_space<vmem>>, vector<16xf32>,
        %get3A_82 = arith.index_cast %add3A_79 : i32 to index
        %get3A_83 = arith.constant 16 : index
        %get3A_84 = tpu.vector_load %arg5[%get3A_82, %get3A_83] {strides = array<i32>} : memref<8x2048xf32, #tpu.memory_space<vmem>>, vector<16xf32>,
        %get3A_85 = arith.index_cast %add3A_79 : i32 to index
        %get3A_86 = arith.constant 32 : index
        %get3A_87 = tpu.vector_load %arg5[%get3A_85, %get3A_86] {strides = array<i32>} : memref<8x2048xf32, #tpu.memory_space<vmem>>, vector<16xf32>,
        %get3A_88 = arith.index_cast %add3A_79 : i32 to index
        %get3A_89 = arith.constant 48 : index
        %get3A_90 = tpu.vector_load %arg5[%get3A_88, %get3A_89] {strides = array<i32>} : memref<8x2048xf32, #tpu.memory_space<vmem>>, vector<16xf32>,
        %add3A_91 = arith.constant 0 : i32
        %add3A_92 = vector.broadcast %add3A_91 : i32 to vector<16xi32>
        %add3A_93 = arith.addi %iota3A, %add3A_92 : vector<16xi32>
        %add3A_94 = arith.constant 16 : i32
        %add3A_95 = vector.broadcast %add3A_94 : i32 to vector<16xi32>
        %add3A_96 = arith.addi %iota3A, %add3A_95 : vector<16xi32>
        %add3A_97 = arith.constant 32 : i32
        %add3A_98 = vector.broadcast %add3A_97 : i32 to vector<16xi32>
        %add3A_99 = arith.addi %iota3A, %add3A_98 : vector<16xi32>
        %add3A_100 = arith.constant 48 : i32
        %add3A_101 = vector.broadcast %add3A_100 : i32 to vector<16xi32>
        %add3A_102 = arith.addi %iota3A, %add3A_101 : vector<16xi32>
        %masked_sort3A = arith.constant dense<true> : vector<16xi1>
        %masked_sort3A_103, %masked_sort3A_104, %masked_sort3A_105 = tpu.sort %get3A_81, %add3A_93 masked %masked_sort3A : (vector<16xf32>, vector<16xi32>, vector<16xi1>) -> (vector<16xi1>, vector<16xf32>, vector<16xi32>)
        %masked_sort3A_106 = arith.constant dense<true> : vector<16xi1>
        %masked_sort3A_107, %masked_sort3A_108, %masked_sort3A_109 = tpu.sort %get3A_84, %add3A_96 masked %masked_sort3A_106 : (vector<16xf32>, vector<16xi32>, vector<16xi1>) -> (vector<16xi1>, vector<16xf32>, vector<16xi32>)
        %masked_sort3A_110 = arith.constant dense<true> : vector<16xi1>
        %masked_sort3A_111, %masked_sort3A_112, %masked_sort3A_113 = tpu.sort %get3A_87, %add3A_99 masked %masked_sort3A_110 : (vector<16xf32>, vector<16xi32>, vector<16xi1>) -> (vector<16xi1>, vector<16xf32>, vector<16xi32>)
        %masked_sort3A_114 = arith.constant dense<true> : vector<16xi1>
        %masked_sort3A_115, %masked_sort3A_116, %masked_sort3A_117 = tpu.sort %get3A_90, %add3A_102 masked %masked_sort3A_114 : (vector<16xf32>, vector<16xi32>, vector<16xi1>) -> (vector<16xi1>, vector<16xf32>, vector<16xi32>)
        %rev3A = arith.constant 15 : i32
        %rev3A_118 = vector.broadcast %rev3A : i32 to vector<16xi32>
        %rev3A_119 = tpu.iota {dimensions = array<i32: 0>} : vector<16xi32>
        %rev3A_120 = arith.subi %rev3A_118, %rev3A_119 : vector<16xi32>
        %rev3A_121 = tpu.dynamic_gather %masked_sort3A_108[%rev3A_120] in [0] : vector<16xf32>, vector<16xi32> -> vector<16xf32>
        %rev3A_122 = arith.constant 15 : i32
        %rev3A_123 = vector.broadcast %rev3A_122 : i32 to vector<16xi32>
        %rev3A_124 = tpu.iota {dimensions = array<i32: 0>} : vector<16xi32>
        %rev3A_125 = arith.subi %rev3A_123, %rev3A_124 : vector<16xi32>
        %rev3A_126 = tpu.dynamic_gather %masked_sort3A_109[%rev3A_125] in [0] : vector<16xi32>, vector<16xi32> -> vector<16xi32>
        %ge3A = arith.cmpf oge, %masked_sort3A_104, %rev3A_121 : vector<16xf32>
        %select_n3A = arith.select %ge3A, %rev3A_121, %masked_sort3A_104 : vector<16xi1>, vector<16xf32>
        %select_n3A_127 = arith.select %ge3A, %rev3A_126, %masked_sort3A_105 : vector<16xi1>, vector<16xi32>
        %select_n3A_128 = arith.select %ge3A, %masked_sort3A_104, %rev3A_121 : vector<16xi1>, vector<16xf32>
        %select_n3A_129 = arith.select %ge3A, %masked_sort3A_105, %rev3A_126 : vector<16xi1>, vector<16xi32>
        %masked_sort3A_130 = arith.constant dense<true> : vector<16xi1>
        %masked_sort3A_131, %masked_sort3A_132, %masked_sort3A_133 = tpu.sort %select_n3A, %select_n3A_127 masked %masked_sort3A_130 : (vector<16xf32>, vector<16xi32>, vector<16xi1>) -> (vector<16xi1>, vector<16xf32>, vector<16xi32>)
        %masked_sort3A_134 = arith.constant dense<true> : vector<16xi1>
        %masked_sort3A_135, %masked_sort3A_136, %masked_sort3A_137 = tpu.sort %select_n3A_128, %select_n3A_129 masked %masked_sort3A_134 : (vector<16xf32>, vector<16xi32>, vector<16xi1>) -> (vector<16xi1>, vector<16xf32>, vector<16xi32>)
        %rev3A_138 = arith.constant 15 : i32
        %rev3A_139 = vector.broadcast %rev3A_138 : i32 to vector<16xi32>
        %rev3A_140 = tpu.iota {dimensions = array<i32: 0>} : vector<16xi32>
        %rev3A_141 = arith.subi %rev3A_139, %rev3A_140 : vector<16xi32>
        %rev3A_142 = tpu.dynamic_gather %masked_sort3A_116[%rev3A_141] in [0] : vector<16xf32>, vector<16xi32> -> vector<16xf32>
        %rev3A_143 = arith.constant 15 : i32
        %rev3A_144 = vector.broadcast %rev3A_143 : i32 to vector<16xi32>
        %rev3A_145 = tpu.iota {dimensions = array<i32: 0>} : vector<16xi32>
        %rev3A_146 = arith.subi %rev3A_144, %rev3A_145 : vector<16xi32>
        %rev3A_147 = tpu.dynamic_gather %masked_sort3A_117[%rev3A_146] in [0] : vector<16xi32>, vector<16xi32> -> vector<16xi32>
        %ge3A_148 = arith.cmpf oge, %masked_sort3A_112, %rev3A_142 : vector<16xf32>
        %select_n3A_149 = arith.select %ge3A_148, %rev3A_142, %masked_sort3A_112 : vector<16xi1>, vector<16xf32>
        %select_n3A_150 = arith.select %ge3A_148, %rev3A_147, %masked_sort3A_113 : vector<16xi1>, vector<16xi32>
        %select_n3A_151 = arith.select %ge3A_148, %masked_sort3A_112, %rev3A_142 : vector<16xi1>, vector<16xf32>
        %select_n3A_152 = arith.select %ge3A_148, %masked_sort3A_113, %rev3A_147 : vector<16xi1>, vector<16xi32>
        %masked_sort3A_153 = arith.constant dense<true> : vector<16xi1>
        %masked_sort3A_154, %masked_sort3A_155, %masked_sort3A_156 = tpu.sort %select_n3A_149, %select_n3A_150 masked %masked_sort3A_153 : (vector<16xf32>, vector<16xi32>, vector<16xi1>) -> (vector<16xi1>, vector<16xf32>, vector<16xi32>)
        %masked_sort3A_157 = arith.constant dense<true> : vector<16xi1>
        %masked_sort3A_158, %masked_sort3A_159, %masked_sort3A_160 = tpu.sort %select_n3A_151, %select_n3A_152 masked %masked_sort3A_157 : (vector<16xf32>, vector<16xi32>, vector<16xi1>) -> (vector<16xi1>, vector<16xf32>, vector<16xi32>)
        %rev3A_161 = arith.constant 15 : i32
        %rev3A_162 = vector.broadcast %rev3A_161 : i32 to vector<16xi32>
        %rev3A_163 = tpu.iota {dimensions = array<i32: 0>} : vector<16xi32>
        %rev3A_164 = arith.subi %rev3A_162, %rev3A_163 : vector<16xi32>
        %rev3A_165 = tpu.dynamic_gather %masked_sort3A_159[%rev3A_164] in [0] : vector<16xf32>, vector<16xi32> -> vector<16xf32>
        %rev3A_166 = arith.constant 15 : i32
        %rev3A_167 = vector.broadcast %rev3A_166 : i32 to vector<16xi32>
        %rev3A_168 = tpu.iota {dimensions = array<i32: 0>} : vector<16xi32>
        %rev3A_169 = arith.subi %rev3A_167, %rev3A_168 : vector<16xi32>
        %rev3A_170 = tpu.dynamic_gather %masked_sort3A_160[%rev3A_169] in [0] : vector<16xi32>, vector<16xi32> -> vector<16xi32>
        %rev3A_171 = arith.constant 15 : i32
        %rev3A_172 = vector.broadcast %rev3A_171 : i32 to vector<16xi32>
        %rev3A_173 = tpu.iota {dimensions = array<i32: 0>} : vector<16xi32>
        %rev3A_174 = arith.subi %rev3A_172, %rev3A_173 : vector<16xi32>
        %rev3A_175 = tpu.dynamic_gather %masked_sort3A_155[%rev3A_174] in [0] : vector<16xf32>, vector<16xi32> -> vector<16xf32>
        %rev3A_176 = arith.constant 15 : i32
        %rev3A_177 = vector.broadcast %rev3A_176 : i32 to vector<16xi32>
        %rev3A_178 = tpu.iota {dimensions = array<i32: 0>} : vector<16xi32>
        %rev3A_179 = arith.subi %rev3A_177, %rev3A_178 : vector<16xi32>
        %rev3A_180 = tpu.dynamic_gather %masked_sort3A_156[%rev3A_179] in [0] : vector<16xi32>, vector<16xi32> -> vector<16xi32>
        %ge3A_181 = arith.cmpf oge, %masked_sort3A_132, %rev3A_165 : vector<16xf32>
        %select_n3A_182 = arith.select %ge3A_181, %rev3A_165, %masked_sort3A_132 : vector<16xi1>, vector<16xf32>
        %select_n3A_183 = arith.select %ge3A_181, %rev3A_170, %masked_sort3A_133 : vector<16xi1>, vector<16xi32>
        %select_n3A_184 = arith.select %ge3A_181, %masked_sort3A_132, %rev3A_165 : vector<16xi1>, vector<16xf32>
        %select_n3A_185 = arith.select %ge3A_181, %masked_sort3A_133, %rev3A_170 : vector<16xi1>, vector<16xi32>
        %ge3A_186 = arith.cmpf oge, %masked_sort3A_136, %rev3A_175 : vector<16xf32>
        %select_n3A_187 = arith.select %ge3A_186, %rev3A_175, %masked_sort3A_136 : vector<16xi1>, vector<16xf32>
        %select_n3A_188 = arith.select %ge3A_186, %rev3A_180, %masked_sort3A_137 : vector<16xi1>, vector<16xi32>
        %select_n3A_189 = arith.select %ge3A_186, %masked_sort3A_136, %rev3A_175 : vector<16xi1>, vector<16xf32>
        %select_n3A_190 = arith.select %ge3A_186, %masked_sort3A_137, %rev3A_180 : vector<16xi1>, vector<16xi32>
        %ge3A_191 = arith.cmpf oge, %select_n3A_182, %select_n3A_187 : vector<16xf32>
        %select_n3A_192 = arith.select %ge3A_191, %select_n3A_187, %select_n3A_182 : vector<16xi1>, vector<16xf32>
        %select_n3A_193 = arith.select %ge3A_191, %select_n3A_188, %select_n3A_183 : vector<16xi1>, vector<16xi32>
        %select_n3A_194 = arith.select %ge3A_191, %select_n3A_182, %select_n3A_187 : vector<16xi1>, vector<16xf32>
        %select_n3A_195 = arith.select %ge3A_191, %select_n3A_183, %select_n3A_188 : vector<16xi1>, vector<16xi32>
        %ge3A_196 = arith.cmpf oge, %select_n3A_184, %select_n3A_189 : vector<16xf32>
        %select_n3A_197 = arith.select %ge3A_196, %select_n3A_189, %select_n3A_184 : vector<16xi1>, vector<16xf32>
        %select_n3A_198 = arith.select %ge3A_196, %select_n3A_190, %select_n3A_185 : vector<16xi1>, vector<16xi32>
        %select_n3A_199 = arith.select %ge3A_196, %select_n3A_184, %select_n3A_189 : vector<16xi1>, vector<16xf32>
        %select_n3A_200 = arith.select %ge3A_196, %select_n3A_185, %select_n3A_190 : vector<16xi1>, vector<16xi32>
        %masked_sort3A_201 = arith.constant dense<true> : vector<16xi1>
        %masked_sort3A_202, %masked_sort3A_203, %masked_sort3A_204 = tpu.sort %select_n3A_192, %select_n3A_193 masked %masked_sort3A_201 : (vector<16xf32>, vector<16xi32>, vector<16xi1>) -> (vector<16xi1>, vector<16xf32>, vector<16xi32>)
        %masked_sort3A_205 = arith.constant dense<true> : vector<16xi1>
        %masked_sort3A_206, %masked_sort3A_207, %masked_sort3A_208 = tpu.sort %select_n3A_194, %select_n3A_195 masked %masked_sort3A_205 : (vector<16xf32>, vector<16xi32>, vector<16xi1>) -> (vector<16xi1>, vector<16xf32>, vector<16xi32>)
        %masked_sort3A_209 = arith.constant dense<true> : vector<16xi1>
        %masked_sort3A_210, %masked_sort3A_211, %masked_sort3A_212 = tpu.sort %select_n3A_197, %select_n3A_198 masked %masked_sort3A_209 : (vector<16xf32>, vector<16xi32>, vector<16xi1>) -> (vector<16xi1>, vector<16xf32>, vector<16xi32>)
        %masked_sort3A_213 = arith.constant dense<true> : vector<16xi1>
        %masked_sort3A_214, %masked_sort3A_215, %masked_sort3A_216 = tpu.sort %select_n3A_199, %select_n3A_200 masked %masked_sort3A_213 : (vector<16xf32>, vector<16xi32>, vector<16xi1>) -> (vector<16xi1>, vector<16xf32>, vector<16xi32>)
        %mul3A_217 = arith.constant 2 : i32
        %mul3A_218 = arith.muli %scan3A_75, %mul3A_217 : i32
        %add3A_219 = arith.constant 1 : i32
        %add3A_220 = arith.addi %mul3A_218, %add3A_219 : i32
        %get3A_221 = arith.index_cast %add3A_220 : i32 to index
        %get3A_222 = arith.constant 0 : index
        %get3A_223 = tpu.vector_load %arg5[%get3A_221, %get3A_222] {strides = array<i32>} : memref<8x2048xf32, #tpu.memory_space<vmem>>, vector<16xf32>,
        %get3A_224 = arith.index_cast %add3A_220 : i32 to index
        %get3A_225 = arith.constant 16 : index
        %get3A_226 = tpu.vector_load %arg5[%get3A_224, %get3A_225] {strides = array<i32>} : memref<8x2048xf32, #tpu.memory_space<vmem>>, vector<16xf32>,
        %get3A_227 = arith.index_cast %add3A_220 : i32 to index
        %get3A_228 = arith.constant 32 : index
        %get3A_229 = tpu.vector_load %arg5[%get3A_227, %get3A_228] {strides = array<i32>} : memref<8x2048xf32, #tpu.memory_space<vmem>>, vector<16xf32>,
        %get3A_230 = arith.index_cast %add3A_220 : i32 to index
        %get3A_231 = arith.constant 48 : index
        %get3A_232 = tpu.vector_load %arg5[%get3A_230, %get3A_231] {strides = array<i32>} : memref<8x2048xf32, #tpu.memory_space<vmem>>, vector<16xf32>,
        %add3A_233 = arith.constant 0 : i32
        %add3A_234 = vector.broadcast %add3A_233 : i32 to vector<16xi32>
        %add3A_235 = arith.addi %iota3A, %add3A_234 : vector<16xi32>
        %add3A_236 = arith.constant 16 : i32
        %add3A_237 = vector.broadcast %add3A_236 : i32 to vector<16xi32>
        %add3A_238 = arith.addi %iota3A, %add3A_237 : vector<16xi32>
        %add3A_239 = arith.constant 32 : i32
        %add3A_240 = vector.broadcast %add3A_239 : i32 to vector<16xi32>
        %add3A_241 = arith.addi %iota3A, %add3A_240 : vector<16xi32>
        %add3A_242 = arith.constant 48 : i32
        %add3A_243 = vector.broadcast %add3A_242 : i32 to vector<16xi32>
        %add3A_244 = arith.addi %iota3A, %add3A_243 : vector<16xi32>
        %masked_sort3A_245 = arith.constant dense<true> : vector<16xi1>
        %masked_sort3A_246, %masked_sort3A_247, %masked_sort3A_248 = tpu.sort %get3A_223, %add3A_235 masked %masked_sort3A_245 : (vector<16xf32>, vector<16xi32>, vector<16xi1>) -> (vector<16xi1>, vector<16xf32>, vector<16xi32>)
        %masked_sort3A_249 = arith.constant dense<true> : vector<16xi1>
        %masked_sort3A_250, %masked_sort3A_251, %masked_sort3A_252 = tpu.sort %get3A_226, %add3A_238 masked %masked_sort3A_249 : (vector<16xf32>, vector<16xi32>, vector<16xi1>) -> (vector<16xi1>, vector<16xf32>, vector<16xi32>)
        %masked_sort3A_253 = arith.constant dense<true> : vector<16xi1>
        %masked_sort3A_254, %masked_sort3A_255, %masked_sort3A_256 = tpu.sort %get3A_229, %add3A_241 masked %masked_sort3A_253 : (vector<16xf32>, vector<16xi32>, vector<16xi1>) -> (vector<16xi1>, vector<16xf32>, vector<16xi32>)
        %masked_sort3A_257 = arith.constant dense<true> : vector<16xi1>
        %masked_sort3A_258, %masked_sort3A_259, %masked_sort3A_260 = tpu.sort %get3A_232, %add3A_244 masked %masked_sort3A_257 : (vector<16xf32>, vector<16xi32>, vector<16xi1>) -> (vector<16xi1>, vector<16xf32>, vector<16xi32>)
        %rev3A_261 = arith.constant 15 : i32
        %rev3A_262 = vector.broadcast %rev3A_261 : i32 to vector<16xi32>
        %rev3A_263 = tpu.iota {dimensions = array<i32: 0>} : vector<16xi32>
        %rev3A_264 = arith.subi %rev3A_262, %rev3A_263 : vector<16xi32>
        %rev3A_265 = tpu.dynamic_gather %masked_sort3A_251[%rev3A_264] in [0] : vector<16xf32>, vector<16xi32> -> vector<16xf32>
        %rev3A_266 = arith.constant 15 : i32
        %rev3A_267 = vector.broadcast %rev3A_266 : i32 to vector<16xi32>
        %rev3A_268 = tpu.iota {dimensions = array<i32: 0>} : vector<16xi32>
        %rev3A_269 = arith.subi %rev3A_267, %rev3A_268 : vector<16xi32>
        %rev3A_270 = tpu.dynamic_gather %masked_sort3A_252[%rev3A_269] in [0] : vector<16xi32>, vector<16xi32> -> vector<16xi32>
        %ge3A_271 = arith.cmpf oge, %masked_sort3A_247, %rev3A_265 : vector<16xf32>
        %select_n3A_272 = arith.select %ge3A_271, %rev3A_265, %masked_sort3A_247 : vector<16xi1>, vector<16xf32>
        %select_n3A_273 = arith.select %ge3A_271, %rev3A_270, %masked_sort3A_248 : vector<16xi1>, vector<16xi32>
        %select_n3A_274 = arith.select %ge3A_271, %masked_sort3A_247, %rev3A_265 : vector<16xi1>, vector<16xf32>
        %select_n3A_275 = arith.select %ge3A_271, %masked_sort3A_248, %rev3A_270 : vector<16xi1>, vector<16xi32>
        %masked_sort3A_276 = arith.constant dense<true> : vector<16xi1>
        %masked_sort3A_277, %masked_sort3A_278, %masked_sort3A_279 = tpu.sort %select_n3A_272, %select_n3A_273 masked %masked_sort3A_276 : (vector<16xf32>, vector<16xi32>, vector<16xi1>) -> (vector<16xi1>, vector<16xf32>, vector<16xi32>)
        %masked_sort3A_280 = arith.constant dense<true> : vector<16xi1>
        %masked_sort3A_281, %masked_sort3A_282, %masked_sort3A_283 = tpu.sort %select_n3A_274, %select_n3A_275 masked %masked_sort3A_280 : (vector<16xf32>, vector<16xi32>, vector<16xi1>) -> (vector<16xi1>, vector<16xf32>, vector<16xi32>)
        %rev3A_284 = arith.constant 15 : i32
        %rev3A_285 = vector.broadcast %rev3A_284 : i32 to vector<16xi32>
        %rev3A_286 = tpu.iota {dimensions = array<i32: 0>} : vector<16xi32>
        %rev3A_287 = arith.subi %rev3A_285, %rev3A_286 : vector<16xi32>
        %rev3A_288 = tpu.dynamic_gather %masked_sort3A_259[%rev3A_287] in [0] : vector<16xf32>, vector<16xi32> -> vector<16xf32>
        %rev3A_289 = arith.constant 15 : i32
        %rev3A_290 = vector.broadcast %rev3A_289 : i32 to vector<16xi32>
        %rev3A_291 = tpu.iota {dimensions = array<i32: 0>} : vector<16xi32>
        %rev3A_292 = arith.subi %rev3A_290, %rev3A_291 : vector<16xi32>
        %rev3A_293 = tpu.dynamic_gather %masked_sort3A_260[%rev3A_292] in [0] : vector<16xi32>, vector<16xi32> -> vector<16xi32>
        %ge3A_294 = arith.cmpf oge, %masked_sort3A_255, %rev3A_288 : vector<16xf32>
        %select_n3A_295 = arith.select %ge3A_294, %rev3A_288, %masked_sort3A_255 : vector<16xi1>, vector<16xf32>
        %select_n3A_296 = arith.select %ge3A_294, %rev3A_293, %masked_sort3A_256 : vector<16xi1>, vector<16xi32>
        %select_n3A_297 = arith.select %ge3A_294, %masked_sort3A_255, %rev3A_288 : vector<16xi1>, vector<16xf32>
        %select_n3A_298 = arith.select %ge3A_294, %masked_sort3A_256, %rev3A_293 : vector<16xi1>, vector<16xi32>
        %masked_sort3A_299 = arith.constant dense<true> : vector<16xi1>
        %masked_sort3A_300, %masked_sort3A_301, %masked_sort3A_302 = tpu.sort %select_n3A_295, %select_n3A_296 masked %masked_sort3A_299 : (vector<16xf32>, vector<16xi32>, vector<16xi1>) -> (vector<16xi1>, vector<16xf32>, vector<16xi32>)
        %masked_sort3A_303 = arith.constant dense<true> : vector<16xi1>
        %masked_sort3A_304, %masked_sort3A_305, %masked_sort3A_306 = tpu.sort %select_n3A_297, %select_n3A_298 masked %masked_sort3A_303 : (vector<16xf32>, vector<16xi32>, vector<16xi1>) -> (vector<16xi1>, vector<16xf32>, vector<16xi32>)
        %rev3A_307 = arith.constant 15 : i32
        %rev3A_308 = vector.broadcast %rev3A_307 : i32 to vector<16xi32>
        %rev3A_309 = tpu.iota {dimensions = array<i32: 0>} : vector<16xi32>
        %rev3A_310 = arith.subi %rev3A_308, %rev3A_309 : vector<16xi32>
        %rev3A_311 = tpu.dynamic_gather %masked_sort3A_305[%rev3A_310] in [0] : vector<16xf32>, vector<16xi32> -> vector<16xf32>
        %rev3A_312 = arith.constant 15 : i32
        %rev3A_313 = vector.broadcast %rev3A_312 : i32 to vector<16xi32>
        %rev3A_314 = tpu.iota {dimensions = array<i32: 0>} : vector<16xi32>
        %rev3A_315 = arith.subi %rev3A_313, %rev3A_314 : vector<16xi32>
        %rev3A_316 = tpu.dynamic_gather %masked_sort3A_306[%rev3A_315] in [0] : vector<16xi32>, vector<16xi32> -> vector<16xi32>
        %rev3A_317 = arith.constant 15 : i32
        %rev3A_318 = vector.broadcast %rev3A_317 : i32 to vector<16xi32>
        %rev3A_319 = tpu.iota {dimensions = array<i32: 0>} : vector<16xi32>
        %rev3A_320 = arith.subi %rev3A_318, %rev3A_319 : vector<16xi32>
        %rev3A_321 = tpu.dynamic_gather %masked_sort3A_301[%rev3A_320] in [0] : vector<16xf32>, vector<16xi32> -> vector<16xf32>
        %rev3A_322 = arith.constant 15 : i32
        %rev3A_323 = vector.broadcast %rev3A_322 : i32 to vector<16xi32>
        %rev3A_324 = tpu.iota {dimensions = array<i32: 0>} : vector<16xi32>
        %rev3A_325 = arith.subi %rev3A_323, %rev3A_324 : vector<16xi32>
        %rev3A_326 = tpu.dynamic_gather %masked_sort3A_302[%rev3A_325] in [0] : vector<16xi32>, vector<16xi32> -> vector<16xi32>
        %ge3A_327 = arith.cmpf oge, %masked_sort3A_278, %rev3A_311 : vector<16xf32>
        %select_n3A_328 = arith.select %ge3A_327, %rev3A_311, %masked_sort3A_278 : vector<16xi1>, vector<16xf32>
        %select_n3A_329 = arith.select %ge3A_327, %rev3A_316, %masked_sort3A_279 : vector<16xi1>, vector<16xi32>
        %select_n3A_330 = arith.select %ge3A_327, %masked_sort3A_278, %rev3A_311 : vector<16xi1>, vector<16xf32>
        %select_n3A_331 = arith.select %ge3A_327, %masked_sort3A_279, %rev3A_316 : vector<16xi1>, vector<16xi32>
        %ge3A_332 = arith.cmpf oge, %masked_sort3A_282, %rev3A_321 : vector<16xf32>
        %select_n3A_333 = arith.select %ge3A_332, %rev3A_321, %masked_sort3A_282 : vector<16xi1>, vector<16xf32>
        %select_n3A_334 = arith.select %ge3A_332, %rev3A_326, %masked_sort3A_283 : vector<16xi1>, vector<16xi32>
        %select_n3A_335 = arith.select %ge3A_332, %masked_sort3A_282, %rev3A_321 : vector<16xi1>, vector<16xf32>
        %select_n3A_336 = arith.select %ge3A_332, %masked_sort3A_283, %rev3A_326 : vector<16xi1>, vector<16xi32>
        %ge3A_337 = arith.cmpf oge, %select_n3A_328, %select_n3A_333 : vector<16xf32>
        %select_n3A_338 = arith.select %ge3A_337, %select_n3A_333, %select_n3A_328 : vector<16xi1>, vector<16xf32>
        %select_n3A_339 = arith.select %ge3A_337, %select_n3A_334, %select_n3A_329 : vector<16xi1>, vector<16xi32>
        %select_n3A_340 = arith.select %ge3A_337, %select_n3A_328, %select_n3A_333 : vector<16xi1>, vector<16xf32>
        %select_n3A_341 = arith.select %ge3A_337, %select_n3A_329, %select_n3A_334 : vector<16xi1>, vector<16xi32>
        %ge3A_342 = arith.cmpf oge, %select_n3A_330, %select_n3A_335 : vector<16xf32>
        %select_n3A_343 = arith.select %ge3A_342, %select_n3A_335, %select_n3A_330 : vector<16xi1>, vector<16xf32>
        %select_n3A_344 = arith.select %ge3A_342, %select_n3A_336, %select_n3A_331 : vector<16xi1>, vector<16xi32>
        %select_n3A_345 = arith.select %ge3A_342, %select_n3A_330, %select_n3A_335 : vector<16xi1>, vector<16xf32>
        %select_n3A_346 = arith.select %ge3A_342, %select_n3A_331, %select_n3A_336 : vector<16xi1>, vector<16xi32>
        %masked_sort3A_347 = arith.constant dense<true> : vector<16xi1>
        %masked_sort3A_348, %masked_sort3A_349, %masked_sort3A_350 = tpu.sort %select_n3A_338, %select_n3A_339 masked %masked_sort3A_347 : (vector<16xf32>, vector<16xi32>, vector<16xi1>) -> (vector<16xi1>, vector<16xf32>, vector<16xi32>)
        %masked_sort3A_351 = arith.constant dense<true> : vector<16xi1>
        %masked_sort3A_352, %masked_sort3A_353, %masked_sort3A_354 = tpu.sort %select_n3A_340, %select_n3A_341 masked %masked_sort3A_351 : (vector<16xf32>, vector<16xi32>, vector<16xi1>) -> (vector<16xi1>, vector<16xf32>, vector<16xi32>)
        %masked_sort3A_355 = arith.constant dense<true> : vector<16xi1>
        %masked_sort3A_356, %masked_sort3A_357, %masked_sort3A_358 = tpu.sort %select_n3A_343, %select_n3A_344 masked %masked_sort3A_355 : (vector<16xf32>, vector<16xi32>, vector<16xi1>) -> (vector<16xi1>, vector<16xf32>, vector<16xi32>)
        %masked_sort3A_359 = arith.constant dense<true> : vector<16xi1>
        %masked_sort3A_360, %masked_sort3A_361, %masked_sort3A_362 = tpu.sort %select_n3A_345, %select_n3A_346 masked %masked_sort3A_359 : (vector<16xf32>, vector<16xi32>, vector<16xi1>) -> (vector<16xi1>, vector<16xf32>, vector<16xi32>)
        %scan3A_363 = arith.constant 1 : i32
        %scan3A_364 = arith.constant 31 : i32
        %scan3A_365 = arith.addi %scan3A_363, %scan3A_364 : i32
        %scan3A_366 = arith.constant 1 : i32
        %scan3A_367:16 = scf.for %scan3A_442 = %scan3A_363 to %scan3A_365 step %scan3A_366 iter_args(%scan3A_443 = %masked_sort3A_203, %scan3A_444 = %masked_sort3A_207, %scan3A_445 = %masked_sort3A_211, %scan3A_446 = %masked_sort3A_215, %scan3A_447 = %masked_sort3A_204, %scan3A_448 = %masked_sort3A_208, %scan3A_449 = %masked_sort3A_212, %scan3A_450 = %masked_sort3A_216, %scan3A_451 = %masked_sort3A_349, %scan3A_452 = %masked_sort3A_353, %scan3A_453 = %masked_sort3A_357, %scan3A_454 = %masked_sort3A_361, %scan3A_455 = %masked_sort3A_350, %scan3A_456 = %masked_sort3A_354, %scan3A_457 = %masked_sort3A_358, %scan3A_458 = %masked_sort3A_362) -> (vector<16xf32>, vector<16xf32>, vector<16xf32>, vector<16xf32>, vector<16xi32>, vector<16xi32>, vector<16xi32>, vector<16xi32>, vector<16xf32>, vector<16xf32>, vector<16xf32>, vector<16xf32>, vector<16xi32>, vector<16xi32>, vector<16xi32>, vector<16xi32>)  : i32 {
          %mul3A_459 = arith.constant 64 : i32
          %mul3A_460 = arith.muli %scan3A_442, %mul3A_459 : i32
          %mul3A_461 = arith.constant 2 : i32
          %mul3A_462 = arith.muli %scan3A_75, %mul3A_461 : i32
          %add3A_463 = arith.constant 0 : i32
          %add3A_464 = arith.addi %mul3A_462, %add3A_463 : i32
          %add3A_465 = arith.constant 0 : i32
          %add3A_466 = arith.addi %mul3A_460, %add3A_465 : i32
          %get3A_467 = arith.index_cast %add3A_464 : i32 to index
          %get3A_468 = arith.index_cast %add3A_466 : i32 to index
          %get3A_469 = tpu.vector_load %arg5[%get3A_467, %get3A_468] {strides = array<i32>} : memref<8x2048xf32, #tpu.memory_space<vmem>>, vector<16xf32>,
          %add3A_470 = arith.constant 16 : i32
          %add3A_471 = arith.addi %mul3A_460, %add3A_470 : i32
          %get3A_472 = arith.index_cast %add3A_464 : i32 to index
          %get3A_473 = arith.index_cast %add3A_471 : i32 to index
          %get3A_474 = tpu.vector_load %arg5[%get3A_472, %get3A_473] {strides = array<i32>} : memref<8x2048xf32, #tpu.memory_space<vmem>>, vector<16xf32>,
          %add3A_475 = arith.constant 32 : i32
          %add3A_476 = arith.addi %mul3A_460, %add3A_475 : i32
          %get3A_477 = arith.index_cast %add3A_464 : i32 to index
          %get3A_478 = arith.index_cast %add3A_476 : i32 to index
          %get3A_479 = tpu.vector_load %arg5[%get3A_477, %get3A_478] {strides = array<i32>} : memref<8x2048xf32, #tpu.memory_space<vmem>>, vector<16xf32>,
          %add3A_480 = arith.constant 48 : i32
          %add3A_481 = arith.addi %mul3A_460, %add3A_480 : i32
          %get3A_482 = arith.index_cast %add3A_464 : i32 to index
          %get3A_483 = arith.index_cast %add3A_481 : i32 to index
          %get3A_484 = tpu.vector_load %arg5[%get3A_482, %get3A_483] {strides = array<i32>} : memref<8x2048xf32, #tpu.memory_space<vmem>>, vector<16xf32>,
          %add3A_485 = vector.broadcast %mul3A_460 : i32 to vector<16xi32>
          %add3A_486 = arith.addi %iota3A, %add3A_485 : vector<16xi32>
          %add3A_487 = arith.constant 0 : i32
          %add3A_488 = vector.broadcast %add3A_487 : i32 to vector<16xi32>
          %add3A_489 = arith.addi %add3A_486, %add3A_488 : vector<16xi32>
          %add3A_490 = vector.broadcast %mul3A_460 : i32 to vector<16xi32>
          %add3A_491 = arith.addi %iota3A, %add3A_490 : vector<16xi32>
          %add3A_492 = arith.constant 16 : i32
          %add3A_493 = vector.broadcast %add3A_492 : i32 to vector<16xi32>
          %add3A_494 = arith.addi %add3A_491, %add3A_493 : vector<16xi32>
          %add3A_495 = vector.broadcast %mul3A_460 : i32 to vector<16xi32>
          %add3A_496 = arith.addi %iota3A, %add3A_495 : vector<16xi32>
          %add3A_497 = arith.constant 32 : i32
          %add3A_498 = vector.broadcast %add3A_497 : i32 to vector<16xi32>
          %add3A_499 = arith.addi %add3A_496, %add3A_498 : vector<16xi32>
          %add3A_500 = vector.broadcast %mul3A_460 : i32 to vector<16xi32>
          %add3A_501 = arith.addi %iota3A, %add3A_500 : vector<16xi32>
          %add3A_502 = arith.constant 48 : i32
          %add3A_503 = vector.broadcast %add3A_502 : i32 to vector<16xi32>
          %add3A_504 = arith.addi %add3A_501, %add3A_503 : vector<16xi32>
          %masked_sort3A_505 = arith.constant dense<true> : vector<16xi1>
          %masked_sort3A_506, %masked_sort3A_507, %masked_sort3A_508 = tpu.sort %get3A_469, %add3A_489 masked %masked_sort3A_505 : (vector<16xf32>, vector<16xi32>, vector<16xi1>) -> (vector<16xi1>, vector<16xf32>, vector<16xi32>)
          %masked_sort3A_509 = arith.constant dense<true> : vector<16xi1>
          %masked_sort3A_510, %masked_sort3A_511, %masked_sort3A_512 = tpu.sort %get3A_474, %add3A_494 masked %masked_sort3A_509 : (vector<16xf32>, vector<16xi32>, vector<16xi1>) -> (vector<16xi1>, vector<16xf32>, vector<16xi32>)
          %masked_sort3A_513 = arith.constant dense<true> : vector<16xi1>
          %masked_sort3A_514, %masked_sort3A_515, %masked_sort3A_516 = tpu.sort %get3A_479, %add3A_499 masked %masked_sort3A_513 : (vector<16xf32>, vector<16xi32>, vector<16xi1>) -> (vector<16xi1>, vector<16xf32>, vector<16xi32>)
          %masked_sort3A_517 = arith.constant dense<true> : vector<16xi1>
          %masked_sort3A_518, %masked_sort3A_519, %masked_sort3A_520 = tpu.sort %get3A_484, %add3A_504 masked %masked_sort3A_517 : (vector<16xf32>, vector<16xi32>, vector<16xi1>) -> (vector<16xi1>, vector<16xf32>, vector<16xi32>)
          %rev3A_521 = arith.constant 15 : i32
          %rev3A_522 = vector.broadcast %rev3A_521 : i32 to vector<16xi32>
          %rev3A_523 = tpu.iota {dimensions = array<i32: 0>} : vector<16xi32>
          %rev3A_524 = arith.subi %rev3A_522, %rev3A_523 : vector<16xi32>
          %rev3A_525 = tpu.dynamic_gather %masked_sort3A_511[%rev3A_524] in [0] : vector<16xf32>, vector<16xi32> -> vector<16xf32>
          %rev3A_526 = arith.constant 15 : i32
          %rev3A_527 = vector.broadcast %rev3A_526 : i32 to vector<16xi32>
          %rev3A_528 = tpu.iota {dimensions = array<i32: 0>} : vector<16xi32>
          %rev3A_529 = arith.subi %rev3A_527, %rev3A_528 : vector<16xi32>
          %rev3A_530 = tpu.dynamic_gather %masked_sort3A_512[%rev3A_529] in [0] : vector<16xi32>, vector<16xi32> -> vector<16xi32>
          %ge3A_531 = arith.cmpf oge, %masked_sort3A_507, %rev3A_525 : vector<16xf32>
          %select_n3A_532 = arith.select %ge3A_531, %rev3A_525, %masked_sort3A_507 : vector<16xi1>, vector<16xf32>
          %select_n3A_533 = arith.select %ge3A_531, %rev3A_530, %masked_sort3A_508 : vector<16xi1>, vector<16xi32>
          %select_n3A_534 = arith.select %ge3A_531, %masked_sort3A_507, %rev3A_525 : vector<16xi1>, vector<16xf32>
          %select_n3A_535 = arith.select %ge3A_531, %masked_sort3A_508, %rev3A_530 : vector<16xi1>, vector<16xi32>
          %masked_sort3A_536 = arith.constant dense<true> : vector<16xi1>
          %masked_sort3A_537, %masked_sort3A_538, %masked_sort3A_539 = tpu.sort %select_n3A_532, %select_n3A_533 masked %masked_sort3A_536 : (vector<16xf32>, vector<16xi32>, vector<16xi1>) -> (vector<16xi1>, vector<16xf32>, vector<16xi32>)
          %masked_sort3A_540 = arith.constant dense<true> : vector<16xi1>
          %masked_sort3A_541, %masked_sort3A_542, %masked_sort3A_543 = tpu.sort %select_n3A_534, %select_n3A_535 masked %masked_sort3A_540 : (vector<16xf32>, vector<16xi32>, vector<16xi1>) -> (vector<16xi1>, vector<16xf32>, vector<16xi32>)
          %rev3A_544 = arith.constant 15 : i32
          %rev3A_545 = vector.broadcast %rev3A_544 : i32 to vector<16xi32>
          %rev3A_546 = tpu.iota {dimensions = array<i32: 0>} : vector<16xi32>
          %rev3A_547 = arith.subi %rev3A_545, %rev3A_546 : vector<16xi32>
          %rev3A_548 = tpu.dynamic_gather %masked_sort3A_519[%rev3A_547] in [0] : vector<16xf32>, vector<16xi32> -> vector<16xf32>
          %rev3A_549 = arith.constant 15 : i32
          %rev3A_550 = vector.broadcast %rev3A_549 : i32 to vector<16xi32>
          %rev3A_551 = tpu.iota {dimensions = array<i32: 0>} : vector<16xi32>
          %rev3A_552 = arith.subi %rev3A_550, %rev3A_551 : vector<16xi32>
          %rev3A_553 = tpu.dynamic_gather %masked_sort3A_520[%rev3A_552] in [0] : vector<16xi32>, vector<16xi32> -> vector<16xi32>
          %ge3A_554 = arith.cmpf oge, %masked_sort3A_515, %rev3A_548 : vector<16xf32>
          %select_n3A_555 = arith.select %ge3A_554, %rev3A_548, %masked_sort3A_515 : vector<16xi1>, vector<16xf32>
          %select_n3A_556 = arith.select %ge3A_554, %rev3A_553, %masked_sort3A_516 : vector<16xi1>, vector<16xi32>
          %select_n3A_557 = arith.select %ge3A_554, %masked_sort3A_515, %rev3A_548 : vector<16xi1>, vector<16xf32>
          %select_n3A_558 = arith.select %ge3A_554, %masked_sort3A_516, %rev3A_553 : vector<16xi1>, vector<16xi32>
          %masked_sort3A_559 = arith.constant dense<true> : vector<16xi1>
          %masked_sort3A_560, %masked_sort3A_561, %masked_sort3A_562 = tpu.sort %select_n3A_555, %select_n3A_556 masked %masked_sort3A_559 : (vector<16xf32>, vector<16xi32>, vector<16xi1>) -> (vector<16xi1>, vector<16xf32>, vector<16xi32>)
          %masked_sort3A_563 = arith.constant dense<true> : vector<16xi1>
          %masked_sort3A_564, %masked_sort3A_565, %masked_sort3A_566 = tpu.sort %select_n3A_557, %select_n3A_558 masked %masked_sort3A_563 : (vector<16xf32>, vector<16xi32>, vector<16xi1>) -> (vector<16xi1>, vector<16xf32>, vector<16xi32>)
          %rev3A_567 = arith.constant 15 : i32
          %rev3A_568 = vector.broadcast %rev3A_567 : i32 to vector<16xi32>
          %rev3A_569 = tpu.iota {dimensions = array<i32: 0>} : vector<16xi32>
          %rev3A_570 = arith.subi %rev3A_568, %rev3A_569 : vector<16xi32>
          %rev3A_571 = tpu.dynamic_gather %masked_sort3A_565[%rev3A_570] in [0] : vector<16xf32>, vector<16xi32> -> vector<16xf32>
          %rev3A_572 = arith.constant 15 : i32
          %rev3A_573 = vector.broadcast %rev3A_572 : i32 to vector<16xi32>
          %rev3A_574 = tpu.iota {dimensions = array<i32: 0>} : vector<16xi32>
          %rev3A_575 = arith.subi %rev3A_573, %rev3A_574 : vector<16xi32>
          %rev3A_576 = tpu.dynamic_gather %masked_sort3A_566[%rev3A_575] in [0] : vector<16xi32>, vector<16xi32> -> vector<16xi32>
          %rev3A_577 = arith.constant 15 : i32
          %rev3A_578 = vector.broadcast %rev3A_577 : i32 to vector<16xi32>
          %rev3A_579 = tpu.iota {dimensions = array<i32: 0>} : vector<16xi32>
          %rev3A_580 = arith.subi %rev3A_578, %rev3A_579 : vector<16xi32>
          %rev3A_581 = tpu.dynamic_gather %masked_sort3A_561[%rev3A_580] in [0] : vector<16xf32>, vector<16xi32> -> vector<16xf32>
          %rev3A_582 = arith.constant 15 : i32
          %rev3A_583 = vector.broadcast %rev3A_582 : i32 to vector<16xi32>
          %rev3A_584 = tpu.iota {dimensions = array<i32: 0>} : vector<16xi32>
          %rev3A_585 = arith.subi %rev3A_583, %rev3A_584 : vector<16xi32>
          %rev3A_586 = tpu.dynamic_gather %masked_sort3A_562[%rev3A_585] in [0] : vector<16xi32>, vector<16xi32> -> vector<16xi32>
          %ge3A_587 = arith.cmpf oge, %masked_sort3A_538, %rev3A_571 : vector<16xf32>
          %select_n3A_588 = arith.select %ge3A_587, %rev3A_571, %masked_sort3A_538 : vector<16xi1>, vector<16xf32>
          %select_n3A_589 = arith.select %ge3A_587, %rev3A_576, %masked_sort3A_539 : vector<16xi1>, vector<16xi32>
          %select_n3A_590 = arith.select %ge3A_587, %masked_sort3A_538, %rev3A_571 : vector<16xi1>, vector<16xf32>
          %select_n3A_591 = arith.select %ge3A_587, %masked_sort3A_539, %rev3A_576 : vector<16xi1>, vector<16xi32>
          %ge3A_592 = arith.cmpf oge, %masked_sort3A_542, %rev3A_581 : vector<16xf32>
          %select_n3A_593 = arith.select %ge3A_592, %rev3A_581, %masked_sort3A_542 : vector<16xi1>, vector<16xf32>
          %select_n3A_594 = arith.select %ge3A_592, %rev3A_586, %masked_sort3A_543 : vector<16xi1>, vector<16xi32>
          %select_n3A_595 = arith.select %ge3A_592, %masked_sort3A_542, %rev3A_581 : vector<16xi1>, vector<16xf32>
          %select_n3A_596 = arith.select %ge3A_592, %masked_sort3A_543, %rev3A_586 : vector<16xi1>, vector<16xi32>
          %ge3A_597 = arith.cmpf oge, %select_n3A_588, %select_n3A_593 : vector<16xf32>
          %select_n3A_598 = arith.select %ge3A_597, %select_n3A_593, %select_n3A_588 : vector<16xi1>, vector<16xf32>
          %select_n3A_599 = arith.select %ge3A_597, %select_n3A_594, %select_n3A_589 : vector<16xi1>, vector<16xi32>
          %select_n3A_600 = arith.select %ge3A_597, %select_n3A_588, %select_n3A_593 : vector<16xi1>, vector<16xf32>
          %select_n3A_601 = arith.select %ge3A_597, %select_n3A_589, %select_n3A_594 : vector<16xi1>, vector<16xi32>
          %ge3A_602 = arith.cmpf oge, %select_n3A_590, %select_n3A_595 : vector<16xf32>
          %select_n3A_603 = arith.select %ge3A_602, %select_n3A_595, %select_n3A_590 : vector<16xi1>, vector<16xf32>
          %select_n3A_604 = arith.select %ge3A_602, %select_n3A_596, %select_n3A_591 : vector<16xi1>, vector<16xi32>
          %select_n3A_605 = arith.select %ge3A_602, %select_n3A_590, %select_n3A_595 : vector<16xi1>, vector<16xf32>
          %select_n3A_606 = arith.select %ge3A_602, %select_n3A_591, %select_n3A_596 : vector<16xi1>, vector<16xi32>
          %masked_sort3A_607 = arith.constant dense<true> : vector<16xi1>
          %masked_sort3A_608, %masked_sort3A_609, %masked_sort3A_610 = tpu.sort %select_n3A_598, %select_n3A_599 masked %masked_sort3A_607 : (vector<16xf32>, vector<16xi32>, vector<16xi1>) -> (vector<16xi1>, vector<16xf32>, vector<16xi32>)
          %masked_sort3A_611 = arith.constant dense<true> : vector<16xi1>
          %masked_sort3A_612, %masked_sort3A_613, %masked_sort3A_614 = tpu.sort %select_n3A_600, %select_n3A_601 masked %masked_sort3A_611 : (vector<16xf32>, vector<16xi32>, vector<16xi1>) -> (vector<16xi1>, vector<16xf32>, vector<16xi32>)
          %masked_sort3A_615 = arith.constant dense<true> : vector<16xi1>
          %masked_sort3A_616, %masked_sort3A_617, %masked_sort3A_618 = tpu.sort %select_n3A_603, %select_n3A_604 masked %masked_sort3A_615 : (vector<16xf32>, vector<16xi32>, vector<16xi1>) -> (vector<16xi1>, vector<16xf32>, vector<16xi32>)
          %masked_sort3A_619 = arith.constant dense<true> : vector<16xi1>
          %masked_sort3A_620, %masked_sort3A_621, %masked_sort3A_622 = tpu.sort %select_n3A_605, %select_n3A_606 masked %masked_sort3A_619 : (vector<16xf32>, vector<16xi32>, vector<16xi1>) -> (vector<16xi1>, vector<16xf32>, vector<16xi32>)
          %rev3A_623 = arith.constant 15 : i32
          %rev3A_624 = vector.broadcast %rev3A_623 : i32 to vector<16xi32>
          %rev3A_625 = tpu.iota {dimensions = array<i32: 0>} : vector<16xi32>
          %rev3A_626 = arith.subi %rev3A_624, %rev3A_625 : vector<16xi32>
          %rev3A_627 = tpu.dynamic_gather %masked_sort3A_621[%rev3A_626] in [0] : vector<16xf32>, vector<16xi32> -> vector<16xf32>
          %rev3A_628 = arith.constant 15 : i32
          %rev3A_629 = vector.broadcast %rev3A_628 : i32 to vector<16xi32>
          %rev3A_630 = tpu.iota {dimensions = array<i32: 0>} : vector<16xi32>
          %rev3A_631 = arith.subi %rev3A_629, %rev3A_630 : vector<16xi32>
          %rev3A_632 = tpu.dynamic_gather %masked_sort3A_617[%rev3A_631] in [0] : vector<16xf32>, vector<16xi32> -> vector<16xf32>
          %rev3A_633 = arith.constant 15 : i32
          %rev3A_634 = vector.broadcast %rev3A_633 : i32 to vector<16xi32>
          %rev3A_635 = tpu.iota {dimensions = array<i32: 0>} : vector<16xi32>
          %rev3A_636 = arith.subi %rev3A_634, %rev3A_635 : vector<16xi32>
          %rev3A_637 = tpu.dynamic_gather %masked_sort3A_613[%rev3A_636] in [0] : vector<16xf32>, vector<16xi32> -> vector<16xf32>
          %rev3A_638 = arith.constant 15 : i32
          %rev3A_639 = vector.broadcast %rev3A_638 : i32 to vector<16xi32>
          %rev3A_640 = tpu.iota {dimensions = array<i32: 0>} : vector<16xi32>
          %rev3A_641 = arith.subi %rev3A_639, %rev3A_640 : vector<16xi32>
          %rev3A_642 = tpu.dynamic_gather %masked_sort3A_609[%rev3A_641] in [0] : vector<16xf32>, vector<16xi32> -> vector<16xf32>
          %rev3A_643 = arith.constant 15 : i32
          %rev3A_644 = vector.broadcast %rev3A_643 : i32 to vector<16xi32>
          %rev3A_645 = tpu.iota {dimensions = array<i32: 0>} : vector<16xi32>
          %rev3A_646 = arith.subi %rev3A_644, %rev3A_645 : vector<16xi32>
          %rev3A_647 = tpu.dynamic_gather %masked_sort3A_622[%rev3A_646] in [0] : vector<16xi32>, vector<16xi32> -> vector<16xi32>
          %rev3A_648 = arith.constant 15 : i32
          %rev3A_649 = vector.broadcast %rev3A_648 : i32 to vector<16xi32>
          %rev3A_650 = tpu.iota {dimensions = array<i32: 0>} : vector<16xi32>
          %rev3A_651 = arith.subi %rev3A_649, %rev3A_650 : vector<16xi32>
          %rev3A_652 = tpu.dynamic_gather %masked_sort3A_618[%rev3A_651] in [0] : vector<16xi32>, vector<16xi32> -> vector<16xi32>
          %rev3A_653 = arith.constant 15 : i32
          %rev3A_654 = vector.broadcast %rev3A_653 : i32 to vector<16xi32>
          %rev3A_655 = tpu.iota {dimensions = array<i32: 0>} : vector<16xi32>
          %rev3A_656 = arith.subi %rev3A_654, %rev3A_655 : vector<16xi32>
          %rev3A_657 = tpu.dynamic_gather %masked_sort3A_614[%rev3A_656] in [0] : vector<16xi32>, vector<16xi32> -> vector<16xi32>
          %rev3A_658 = arith.constant 15 : i32
          %rev3A_659 = vector.broadcast %rev3A_658 : i32 to vector<16xi32>
          %rev3A_660 = tpu.iota {dimensions = array<i32: 0>} : vector<16xi32>
          %rev3A_661 = arith.subi %rev3A_659, %rev3A_660 : vector<16xi32>
          %rev3A_662 = tpu.dynamic_gather %masked_sort3A_610[%rev3A_661] in [0] : vector<16xi32>, vector<16xi32> -> vector<16xi32>
          %ge3A_663 = arith.cmpf oge, %scan3A_443, %rev3A_627 : vector<16xf32>
          %select_n3A_664 = arith.select %ge3A_663, %scan3A_443, %rev3A_627 : vector<16xi1>, vector<16xf32>
          %select_n3A_665 = arith.select %ge3A_663, %scan3A_447, %rev3A_647 : vector<16xi1>, vector<16xi32>
          %ge3A_666 = arith.cmpf oge, %scan3A_444, %rev3A_632 : vector<16xf32>
          %select_n3A_667 = arith.select %ge3A_666, %scan3A_444, %rev3A_632 : vector<16xi1>, vector<16xf32>
          %select_n3A_668 = arith.select %ge3A_666, %scan3A_448, %rev3A_652 : vector<16xi1>, vector<16xi32>
          %ge3A_669 = arith.cmpf oge, %scan3A_445, %rev3A_637 : vector<16xf32>
          %select_n3A_670 = arith.select %ge3A_669, %scan3A_445, %rev3A_637 : vector<16xi1>, vector<16xf32>
          %select_n3A_671 = arith.select %ge3A_669, %scan3A_449, %rev3A_657 : vector<16xi1>, vector<16xi32>
          %ge3A_672 = arith.cmpf oge, %scan3A_446, %rev3A_642 : vector<16xf32>
          %select_n3A_673 = arith.select %ge3A_672, %scan3A_446, %rev3A_642 : vector<16xi1>, vector<16xf32>
          %select_n3A_674 = arith.select %ge3A_672, %scan3A_450, %rev3A_662 : vector<16xi1>, vector<16xi32>
          %ge3A_675 = arith.cmpf oge, %select_n3A_664, %select_n3A_670 : vector<16xf32>
          %select_n3A_676 = arith.select %ge3A_675, %select_n3A_670, %select_n3A_664 : vector<16xi1>, vector<16xf32>
          %select_n3A_677 = arith.select %ge3A_675, %select_n3A_671, %select_n3A_665 : vector<16xi1>, vector<16xi32>
          %select_n3A_678 = arith.select %ge3A_675, %select_n3A_664, %select_n3A_670 : vector<16xi1>, vector<16xf32>
          %select_n3A_679 = arith.select %ge3A_675, %select_n3A_665, %select_n3A_671 : vector<16xi1>, vector<16xi32>
          %ge3A_680 = arith.cmpf oge, %select_n3A_667, %select_n3A_673 : vector<16xf32>
          %select_n3A_681 = arith.select %ge3A_680, %select_n3A_673, %select_n3A_667 : vector<16xi1>, vector<16xf32>
          %select_n3A_682 = arith.select %ge3A_680, %select_n3A_674, %select_n3A_668 : vector<16xi1>, vector<16xi32>
          %select_n3A_683 = arith.select %ge3A_680, %select_n3A_667, %select_n3A_673 : vector<16xi1>, vector<16xf32>
          %select_n3A_684 = arith.select %ge3A_680, %select_n3A_668, %select_n3A_674 : vector<16xi1>, vector<16xi32>
          %ge3A_685 = arith.cmpf oge, %select_n3A_676, %select_n3A_681 : vector<16xf32>
          %select_n3A_686 = arith.select %ge3A_685, %select_n3A_681, %select_n3A_676 : vector<16xi1>, vector<16xf32>
          %select_n3A_687 = arith.select %ge3A_685, %select_n3A_682, %select_n3A_677 : vector<16xi1>, vector<16xi32>
          %select_n3A_688 = arith.select %ge3A_685, %select_n3A_676, %select_n3A_681 : vector<16xi1>, vector<16xf32>
          %select_n3A_689 = arith.select %ge3A_685, %select_n3A_677, %select_n3A_682 : vector<16xi1>, vector<16xi32>
          %ge3A_690 = arith.cmpf oge, %select_n3A_678, %select_n3A_683 : vector<16xf32>
          %select_n3A_691 = arith.select %ge3A_690, %select_n3A_683, %select_n3A_678 : vector<16xi1>, vector<16xf32>
          %select_n3A_692 = arith.select %ge3A_690, %select_n3A_684, %select_n3A_679 : vector<16xi1>, vector<16xi32>
          %select_n3A_693 = arith.select %ge3A_690, %select_n3A_678, %select_n3A_683 : vector<16xi1>, vector<16xf32>
          %select_n3A_694 = arith.select %ge3A_690, %select_n3A_679, %select_n3A_684 : vector<16xi1>, vector<16xi32>
          %masked_sort3A_695 = arith.constant dense<true> : vector<16xi1>
          %masked_sort3A_696, %masked_sort3A_697, %masked_sort3A_698 = tpu.sort %select_n3A_686, %select_n3A_687 masked %masked_sort3A_695 : (vector<16xf32>, vector<16xi32>, vector<16xi1>) -> (vector<16xi1>, vector<16xf32>, vector<16xi32>)
          %masked_sort3A_699 = arith.constant dense<true> : vector<16xi1>
          %masked_sort3A_700, %masked_sort3A_701, %masked_sort3A_702 = tpu.sort %select_n3A_688, %select_n3A_689 masked %masked_sort3A_699 : (vector<16xf32>, vector<16xi32>, vector<16xi1>) -> (vector<16xi1>, vector<16xf32>, vector<16xi32>)
          %masked_sort3A_703 = arith.constant dense<true> : vector<16xi1>
          %masked_sort3A_704, %masked_sort3A_705, %masked_sort3A_706 = tpu.sort %select_n3A_691, %select_n3A_692 masked %masked_sort3A_703 : (vector<16xf32>, vector<16xi32>, vector<16xi1>) -> (vector<16xi1>, vector<16xf32>, vector<16xi32>)
          %masked_sort3A_707 = arith.constant dense<true> : vector<16xi1>
          %masked_sort3A_708, %masked_sort3A_709, %masked_sort3A_710 = tpu.sort %select_n3A_693, %select_n3A_694 masked %masked_sort3A_707 : (vector<16xf32>, vector<16xi32>, vector<16xi1>) -> (vector<16xi1>, vector<16xf32>, vector<16xi32>)
          %mul3A_711 = arith.constant 2 : i32
          %mul3A_712 = arith.muli %scan3A_75, %mul3A_711 : i32
          %add3A_713 = arith.constant 1 : i32
          %add3A_714 = arith.addi %mul3A_712, %add3A_713 : i32
          %add3A_715 = arith.constant 0 : i32
          %add3A_716 = arith.addi %mul3A_460, %add3A_715 : i32
          %get3A_717 = arith.index_cast %add3A_714 : i32 to index
          %get3A_718 = arith.index_cast %add3A_716 : i32 to index
          %get3A_719 = tpu.vector_load %arg5[%get3A_717, %get3A_718] {strides = array<i32>} : memref<8x2048xf32, #tpu.memory_space<vmem>>, vector<16xf32>,
          %add3A_720 = arith.constant 16 : i32
          %add3A_721 = arith.addi %mul3A_460, %add3A_720 : i32
          %get3A_722 = arith.index_cast %add3A_714 : i32 to index
          %get3A_723 = arith.index_cast %add3A_721 : i32 to index
          %get3A_724 = tpu.vector_load %arg5[%get3A_722, %get3A_723] {strides = array<i32>} : memref<8x2048xf32, #tpu.memory_space<vmem>>, vector<16xf32>,
          %add3A_725 = arith.constant 32 : i32
          %add3A_726 = arith.addi %mul3A_460, %add3A_725 : i32
          %get3A_727 = arith.index_cast %add3A_714 : i32 to index
          %get3A_728 = arith.index_cast %add3A_726 : i32 to index
          %get3A_729 = tpu.vector_load %arg5[%get3A_727, %get3A_728] {strides = array<i32>} : memref<8x2048xf32, #tpu.memory_space<vmem>>, vector<16xf32>,
          %add3A_730 = arith.constant 48 : i32
          %add3A_731 = arith.addi %mul3A_460, %add3A_730 : i32
          %get3A_732 = arith.index_cast %add3A_714 : i32 to index
          %get3A_733 = arith.index_cast %add3A_731 : i32 to index
          %get3A_734 = tpu.vector_load %arg5[%get3A_732, %get3A_733] {strides = array<i32>} : memref<8x2048xf32, #tpu.memory_space<vmem>>, vector<16xf32>,
          %add3A_735 = vector.broadcast %mul3A_460 : i32 to vector<16xi32>
          %add3A_736 = arith.addi %iota3A, %add3A_735 : vector<16xi32>
          %add3A_737 = arith.constant 0 : i32
          %add3A_738 = vector.broadcast %add3A_737 : i32 to vector<16xi32>
          %add3A_739 = arith.addi %add3A_736, %add3A_738 : vector<16xi32>
          %add3A_740 = vector.broadcast %mul3A_460 : i32 to vector<16xi32>
          %add3A_741 = arith.addi %iota3A, %add3A_740 : vector<16xi32>
          %add3A_742 = arith.constant 16 : i32
          %add3A_743 = vector.broadcast %add3A_742 : i32 to vector<16xi32>
          %add3A_744 = arith.addi %add3A_741, %add3A_743 : vector<16xi32>
          %add3A_745 = vector.broadcast %mul3A_460 : i32 to vector<16xi32>
          %add3A_746 = arith.addi %iota3A, %add3A_745 : vector<16xi32>
          %add3A_747 = arith.constant 32 : i32
          %add3A_748 = vector.broadcast %add3A_747 : i32 to vector<16xi32>
          %add3A_749 = arith.addi %add3A_746, %add3A_748 : vector<16xi32>
          %add3A_750 = vector.broadcast %mul3A_460 : i32 to vector<16xi32>
          %add3A_751 = arith.addi %iota3A, %add3A_750 : vector<16xi32>
          %add3A_752 = arith.constant 48 : i32
          %add3A_753 = vector.broadcast %add3A_752 : i32 to vector<16xi32>
          %add3A_754 = arith.addi %add3A_751, %add3A_753 : vector<16xi32>
          %masked_sort3A_755 = arith.constant dense<true> : vector<16xi1>
          %masked_sort3A_756, %masked_sort3A_757, %masked_sort3A_758 = tpu.sort %get3A_719, %add3A_739 masked %masked_sort3A_755 : (vector<16xf32>, vector<16xi32>, vector<16xi1>) -> (vector<16xi1>, vector<16xf32>, vector<16xi32>)
          %masked_sort3A_759 = arith.constant dense<true> : vector<16xi1>
          %masked_sort3A_760, %masked_sort3A_761, %masked_sort3A_762 = tpu.sort %get3A_724, %add3A_744 masked %masked_sort3A_759 : (vector<16xf32>, vector<16xi32>, vector<16xi1>) -> (vector<16xi1>, vector<16xf32>, vector<16xi32>)
          %masked_sort3A_763 = arith.constant dense<true> : vector<16xi1>
          %masked_sort3A_764, %masked_sort3A_765, %masked_sort3A_766 = tpu.sort %get3A_729, %add3A_749 masked %masked_sort3A_763 : (vector<16xf32>, vector<16xi32>, vector<16xi1>) -> (vector<16xi1>, vector<16xf32>, vector<16xi32>)
          %masked_sort3A_767 = arith.constant dense<true> : vector<16xi1>
          %masked_sort3A_768, %masked_sort3A_769, %masked_sort3A_770 = tpu.sort %get3A_734, %add3A_754 masked %masked_sort3A_767 : (vector<16xf32>, vector<16xi32>, vector<16xi1>) -> (vector<16xi1>, vector<16xf32>, vector<16xi32>)
          %rev3A_771 = arith.constant 15 : i32
          %rev3A_772 = vector.broadcast %rev3A_771 : i32 to vector<16xi32>
          %rev3A_773 = tpu.iota {dimensions = array<i32: 0>} : vector<16xi32>
          %rev3A_774 = arith.subi %rev3A_772, %rev3A_773 : vector<16xi32>
          %rev3A_775 = tpu.dynamic_gather %masked_sort3A_761[%rev3A_774] in [0] : vector<16xf32>, vector<16xi32> -> vector<16xf32>
          %rev3A_776 = arith.constant 15 : i32
          %rev3A_777 = vector.broadcast %rev3A_776 : i32 to vector<16xi32>
          %rev3A_778 = tpu.iota {dimensions = array<i32: 0>} : vector<16xi32>
          %rev3A_779 = arith.subi %rev3A_777, %rev3A_778 : vector<16xi32>
          %rev3A_780 = tpu.dynamic_gather %masked_sort3A_762[%rev3A_779] in [0] : vector<16xi32>, vector<16xi32> -> vector<16xi32>
          %ge3A_781 = arith.cmpf oge, %masked_sort3A_757, %rev3A_775 : vector<16xf32>
          %select_n3A_782 = arith.select %ge3A_781, %rev3A_775, %masked_sort3A_757 : vector<16xi1>, vector<16xf32>
          %select_n3A_783 = arith.select %ge3A_781, %rev3A_780, %masked_sort3A_758 : vector<16xi1>, vector<16xi32>
          %select_n3A_784 = arith.select %ge3A_781, %masked_sort3A_757, %rev3A_775 : vector<16xi1>, vector<16xf32>
          %select_n3A_785 = arith.select %ge3A_781, %masked_sort3A_758, %rev3A_780 : vector<16xi1>, vector<16xi32>
          %masked_sort3A_786 = arith.constant dense<true> : vector<16xi1>
          %masked_sort3A_787, %masked_sort3A_788, %masked_sort3A_789 = tpu.sort %select_n3A_782, %select_n3A_783 masked %masked_sort3A_786 : (vector<16xf32>, vector<16xi32>, vector<16xi1>) -> (vector<16xi1>, vector<16xf32>, vector<16xi32>)
          %masked_sort3A_790 = arith.constant dense<true> : vector<16xi1>
          %masked_sort3A_791, %masked_sort3A_792, %masked_sort3A_793 = tpu.sort %select_n3A_784, %select_n3A_785 masked %masked_sort3A_790 : (vector<16xf32>, vector<16xi32>, vector<16xi1>) -> (vector<16xi1>, vector<16xf32>, vector<16xi32>)
          %rev3A_794 = arith.constant 15 : i32
          %rev3A_795 = vector.broadcast %rev3A_794 : i32 to vector<16xi32>
          %rev3A_796 = tpu.iota {dimensions = array<i32: 0>} : vector<16xi32>
          %rev3A_797 = arith.subi %rev3A_795, %rev3A_796 : vector<16xi32>
          %rev3A_798 = tpu.dynamic_gather %masked_sort3A_769[%rev3A_797] in [0] : vector<16xf32>, vector<16xi32> -> vector<16xf32>
          %rev3A_799 = arith.constant 15 : i32
          %rev3A_800 = vector.broadcast %rev3A_799 : i32 to vector<16xi32>
          %rev3A_801 = tpu.iota {dimensions = array<i32: 0>} : vector<16xi32>
          %rev3A_802 = arith.subi %rev3A_800, %rev3A_801 : vector<16xi32>
          %rev3A_803 = tpu.dynamic_gather %masked_sort3A_770[%rev3A_802] in [0] : vector<16xi32>, vector<16xi32> -> vector<16xi32>
          %ge3A_804 = arith.cmpf oge, %masked_sort3A_765, %rev3A_798 : vector<16xf32>
          %select_n3A_805 = arith.select %ge3A_804, %rev3A_798, %masked_sort3A_765 : vector<16xi1>, vector<16xf32>
          %select_n3A_806 = arith.select %ge3A_804, %rev3A_803, %masked_sort3A_766 : vector<16xi1>, vector<16xi32>
          %select_n3A_807 = arith.select %ge3A_804, %masked_sort3A_765, %rev3A_798 : vector<16xi1>, vector<16xf32>
          %select_n3A_808 = arith.select %ge3A_804, %masked_sort3A_766, %rev3A_803 : vector<16xi1>, vector<16xi32>
          %masked_sort3A_809 = arith.constant dense<true> : vector<16xi1>
          %masked_sort3A_810, %masked_sort3A_811, %masked_sort3A_812 = tpu.sort %select_n3A_805, %select_n3A_806 masked %masked_sort3A_809 : (vector<16xf32>, vector<16xi32>, vector<16xi1>) -> (vector<16xi1>, vector<16xf32>, vector<16xi32>)
          %masked_sort3A_813 = arith.constant dense<true> : vector<16xi1>
          %masked_sort3A_814, %masked_sort3A_815, %masked_sort3A_816 = tpu.sort %select_n3A_807, %select_n3A_808 masked %masked_sort3A_813 : (vector<16xf32>, vector<16xi32>, vector<16xi1>) -> (vector<16xi1>, vector<16xf32>, vector<16xi32>)
          %rev3A_817 = arith.constant 15 : i32
          %rev3A_818 = vector.broadcast %rev3A_817 : i32 to vector<16xi32>
          %rev3A_819 = tpu.iota {dimensions = array<i32: 0>} : vector<16xi32>
          %rev3A_820 = arith.subi %rev3A_818, %rev3A_819 : vector<16xi32>
          %rev3A_821 = tpu.dynamic_gather %masked_sort3A_815[%rev3A_820] in [0] : vector<16xf32>, vector<16xi32> -> vector<16xf32>
          %rev3A_822 = arith.constant 15 : i32
          %rev3A_823 = vector.broadcast %rev3A_822 : i32 to vector<16xi32>
          %rev3A_824 = tpu.iota {dimensions = array<i32: 0>} : vector<16xi32>
          %rev3A_825 = arith.subi %rev3A_823, %rev3A_824 : vector<16xi32>
          %rev3A_826 = tpu.dynamic_gather %masked_sort3A_816[%rev3A_825] in [0] : vector<16xi32>, vector<16xi32> -> vector<16xi32>
          %rev3A_827 = arith.constant 15 : i32
          %rev3A_828 = vector.broadcast %rev3A_827 : i32 to vector<16xi32>
          %rev3A_829 = tpu.iota {dimensions = array<i32: 0>} : vector<16xi32>
          %rev3A_830 = arith.subi %rev3A_828, %rev3A_829 : vector<16xi32>
          %rev3A_831 = tpu.dynamic_gather %masked_sort3A_811[%rev3A_830] in [0] : vector<16xf32>, vector<16xi32> -> vector<16xf32>
          %rev3A_832 = arith.constant 15 : i32
          %rev3A_833 = vector.broadcast %rev3A_832 : i32 to vector<16xi32>
          %rev3A_834 = tpu.iota {dimensions = array<i32: 0>} : vector<16xi32>
          %rev3A_835 = arith.subi %rev3A_833, %rev3A_834 : vector<16xi32>
          %rev3A_836 = tpu.dynamic_gather %masked_sort3A_812[%rev3A_835] in [0] : vector<16xi32>, vector<16xi32> -> vector<16xi32>
          %ge3A_837 = arith.cmpf oge, %masked_sort3A_788, %rev3A_821 : vector<16xf32>
          %select_n3A_838 = arith.select %ge3A_837, %rev3A_821, %masked_sort3A_788 : vector<16xi1>, vector<16xf32>
          %select_n3A_839 = arith.select %ge3A_837, %rev3A_826, %masked_sort3A_789 : vector<16xi1>, vector<16xi32>
          %select_n3A_840 = arith.select %ge3A_837, %masked_sort3A_788, %rev3A_821 : vector<16xi1>, vector<16xf32>
          %select_n3A_841 = arith.select %ge3A_837, %masked_sort3A_789, %rev3A_826 : vector<16xi1>, vector<16xi32>
          %ge3A_842 = arith.cmpf oge, %masked_sort3A_792, %rev3A_831 : vector<16xf32>
          %select_n3A_843 = arith.select %ge3A_842, %rev3A_831, %masked_sort3A_792 : vector<16xi1>, vector<16xf32>
          %select_n3A_844 = arith.select %ge3A_842, %rev3A_836, %masked_sort3A_793 : vector<16xi1>, vector<16xi32>
          %select_n3A_845 = arith.select %ge3A_842, %masked_sort3A_792, %rev3A_831 : vector<16xi1>, vector<16xf32>
          %select_n3A_846 = arith.select %ge3A_842, %masked_sort3A_793, %rev3A_836 : vector<16xi1>, vector<16xi32>
          %ge3A_847 = arith.cmpf oge, %select_n3A_838, %select_n3A_843 : vector<16xf32>
          %select_n3A_848 = arith.select %ge3A_847, %select_n3A_843, %select_n3A_838 : vector<16xi1>, vector<16xf32>
          %select_n3A_849 = arith.select %ge3A_847, %select_n3A_844, %select_n3A_839 : vector<16xi1>, vector<16xi32>
          %select_n3A_850 = arith.select %ge3A_847, %select_n3A_838, %select_n3A_843 : vector<16xi1>, vector<16xf32>
          %select_n3A_851 = arith.select %ge3A_847, %select_n3A_839, %select_n3A_844 : vector<16xi1>, vector<16xi32>
          %ge3A_852 = arith.cmpf oge, %select_n3A_840, %select_n3A_845 : vector<16xf32>
          %select_n3A_853 = arith.select %ge3A_852, %select_n3A_845, %select_n3A_840 : vector<16xi1>, vector<16xf32>
          %select_n3A_854 = arith.select %ge3A_852, %select_n3A_846, %select_n3A_841 : vector<16xi1>, vector<16xi32>
          %select_n3A_855 = arith.select %ge3A_852, %select_n3A_840, %select_n3A_845 : vector<16xi1>, vector<16xf32>
          %select_n3A_856 = arith.select %ge3A_852, %select_n3A_841, %select_n3A_846 : vector<16xi1>, vector<16xi32>
          %masked_sort3A_857 = arith.constant dense<true> : vector<16xi1>
          %masked_sort3A_858, %masked_sort3A_859, %masked_sort3A_860 = tpu.sort %select_n3A_848, %select_n3A_849 masked %masked_sort3A_857 : (vector<16xf32>, vector<16xi32>, vector<16xi1>) -> (vector<16xi1>, vector<16xf32>, vector<16xi32>)
          %masked_sort3A_861 = arith.constant dense<true> : vector<16xi1>
          %masked_sort3A_862, %masked_sort3A_863, %masked_sort3A_864 = tpu.sort %select_n3A_850, %select_n3A_851 masked %masked_sort3A_861 : (vector<16xf32>, vector<16xi32>, vector<16xi1>) -> (vector<16xi1>, vector<16xf32>, vector<16xi32>)
          %masked_sort3A_865 = arith.constant dense<true> : vector<16xi1>
          %masked_sort3A_866, %masked_sort3A_867, %masked_sort3A_868 = tpu.sort %select_n3A_853, %select_n3A_854 masked %masked_sort3A_865 : (vector<16xf32>, vector<16xi32>, vector<16xi1>) -> (vector<16xi1>, vector<16xf32>, vector<16xi32>)
          %masked_sort3A_869 = arith.constant dense<true> : vector<16xi1>
          %masked_sort3A_870, %masked_sort3A_871, %masked_sort3A_872 = tpu.sort %select_n3A_855, %select_n3A_856 masked %masked_sort3A_869 : (vector<16xf32>, vector<16xi32>, vector<16xi1>) -> (vector<16xi1>, vector<16xf32>, vector<16xi32>)
          %rev3A_873 = arith.constant 15 : i32
          %rev3A_874 = vector.broadcast %rev3A_873 : i32 to vector<16xi32>
          %rev3A_875 = tpu.iota {dimensions = array<i32: 0>} : vector<16xi32>
          %rev3A_876 = arith.subi %rev3A_874, %rev3A_875 : vector<16xi32>
          %rev3A_877 = tpu.dynamic_gather %masked_sort3A_871[%rev3A_876] in [0] : vector<16xf32>, vector<16xi32> -> vector<16xf32>
          %rev3A_878 = arith.constant 15 : i32
          %rev3A_879 = vector.broadcast %rev3A_878 : i32 to vector<16xi32>
          %rev3A_880 = tpu.iota {dimensions = array<i32: 0>} : vector<16xi32>
          %rev3A_881 = arith.subi %rev3A_879, %rev3A_880 : vector<16xi32>
          %rev3A_882 = tpu.dynamic_gather %masked_sort3A_867[%rev3A_881] in [0] : vector<16xf32>, vector<16xi32> -> vector<16xf32>
          %rev3A_883 = arith.constant 15 : i32
          %rev3A_884 = vector.broadcast %rev3A_883 : i32 to vector<16xi32>
          %rev3A_885 = tpu.iota {dimensions = array<i32: 0>} : vector<16xi32>
          %rev3A_886 = arith.subi %rev3A_884, %rev3A_885 : vector<16xi32>
          %rev3A_887 = tpu.dynamic_gather %masked_sort3A_863[%rev3A_886] in [0] : vector<16xf32>, vector<16xi32> -> vector<16xf32>
          %rev3A_888 = arith.constant 15 : i32
          %rev3A_889 = vector.broadcast %rev3A_888 : i32 to vector<16xi32>
          %rev3A_890 = tpu.iota {dimensions = array<i32: 0>} : vector<16xi32>
          %rev3A_891 = arith.subi %rev3A_889, %rev3A_890 : vector<16xi32>
          %rev3A_892 = tpu.dynamic_gather %masked_sort3A_859[%rev3A_891] in [0] : vector<16xf32>, vector<16xi32> -> vector<16xf32>
          %rev3A_893 = arith.constant 15 : i32
          %rev3A_894 = vector.broadcast %rev3A_893 : i32 to vector<16xi32>
          %rev3A_895 = tpu.iota {dimensions = array<i32: 0>} : vector<16xi32>
          %rev3A_896 = arith.subi %rev3A_894, %rev3A_895 : vector<16xi32>
          %rev3A_897 = tpu.dynamic_gather %masked_sort3A_872[%rev3A_896] in [0] : vector<16xi32>, vector<16xi32> -> vector<16xi32>
          %rev3A_898 = arith.constant 15 : i32
          %rev3A_899 = vector.broadcast %rev3A_898 : i32 to vector<16xi32>
          %rev3A_900 = tpu.iota {dimensions = array<i32: 0>} : vector<16xi32>
          %rev3A_901 = arith.subi %rev3A_899, %rev3A_900 : vector<16xi32>
          %rev3A_902 = tpu.dynamic_gather %masked_sort3A_868[%rev3A_901] in [0] : vector<16xi32>, vector<16xi32> -> vector<16xi32>
          %rev3A_903 = arith.constant 15 : i32
          %rev3A_904 = vector.broadcast %rev3A_903 : i32 to vector<16xi32>
          %rev3A_905 = tpu.iota {dimensions = array<i32: 0>} : vector<16xi32>
          %rev3A_906 = arith.subi %rev3A_904, %rev3A_905 : vector<16xi32>
          %rev3A_907 = tpu.dynamic_gather %masked_sort3A_864[%rev3A_906] in [0] : vector<16xi32>, vector<16xi32> -> vector<16xi32>
          %rev3A_908 = arith.constant 15 : i32
          %rev3A_909 = vector.broadcast %rev3A_908 : i32 to vector<16xi32>
          %rev3A_910 = tpu.iota {dimensions = array<i32: 0>} : vector<16xi32>
          %rev3A_911 = arith.subi %rev3A_909, %rev3A_910 : vector<16xi32>
          %rev3A_912 = tpu.dynamic_gather %masked_sort3A_860[%rev3A_911] in [0] : vector<16xi32>, vector<16xi32> -> vector<16xi32>
          %ge3A_913 = arith.cmpf oge, %scan3A_451, %rev3A_877 : vector<16xf32>
          %select_n3A_914 = arith.select %ge3A_913, %scan3A_451, %rev3A_877 : vector<16xi1>, vector<16xf32>
          %select_n3A_915 = arith.select %ge3A_913, %scan3A_455, %rev3A_897 : vector<16xi1>, vector<16xi32>
          %ge3A_916 = arith.cmpf oge, %scan3A_452, %rev3A_882 : vector<16xf32>
          %select_n3A_917 = arith.select %ge3A_916, %scan3A_452, %rev3A_882 : vector<16xi1>, vector<16xf32>
          %select_n3A_918 = arith.select %ge3A_916, %scan3A_456, %rev3A_902 : vector<16xi1>, vector<16xi32>
          %ge3A_919 = arith.cmpf oge, %scan3A_453, %rev3A_887 : vector<16xf32>
          %select_n3A_920 = arith.select %ge3A_919, %scan3A_453, %rev3A_887 : vector<16xi1>, vector<16xf32>
          %select_n3A_921 = arith.select %ge3A_919, %scan3A_457, %rev3A_907 : vector<16xi1>, vector<16xi32>
          %ge3A_922 = arith.cmpf oge, %scan3A_454, %rev3A_892 : vector<16xf32>
          %select_n3A_923 = arith.select %ge3A_922, %scan3A_454, %rev3A_892 : vector<16xi1>, vector<16xf32>
          %select_n3A_924 = arith.select %ge3A_922, %scan3A_458, %rev3A_912 : vector<16xi1>, vector<16xi32>
          %ge3A_925 = arith.cmpf oge, %select_n3A_914, %select_n3A_920 : vector<16xf32>
          %select_n3A_926 = arith.select %ge3A_925, %select_n3A_920, %select_n3A_914 : vector<16xi1>, vector<16xf32>
          %select_n3A_927 = arith.select %ge3A_925, %select_n3A_921, %select_n3A_915 : vector<16xi1>, vector<16xi32>
          %select_n3A_928 = arith.select %ge3A_925, %select_n3A_914, %select_n3A_920 : vector<16xi1>, vector<16xf32>
          %select_n3A_929 = arith.select %ge3A_925, %select_n3A_915, %select_n3A_921 : vector<16xi1>, vector<16xi32>
          %ge3A_930 = arith.cmpf oge, %select_n3A_917, %select_n3A_923 : vector<16xf32>
          %select_n3A_931 = arith.select %ge3A_930, %select_n3A_923, %select_n3A_917 : vector<16xi1>, vector<16xf32>
          %select_n3A_932 = arith.select %ge3A_930, %select_n3A_924, %select_n3A_918 : vector<16xi1>, vector<16xi32>
          %select_n3A_933 = arith.select %ge3A_930, %select_n3A_917, %select_n3A_923 : vector<16xi1>, vector<16xf32>
          %select_n3A_934 = arith.select %ge3A_930, %select_n3A_918, %select_n3A_924 : vector<16xi1>, vector<16xi32>
          %ge3A_935 = arith.cmpf oge, %select_n3A_926, %select_n3A_931 : vector<16xf32>
          %select_n3A_936 = arith.select %ge3A_935, %select_n3A_931, %select_n3A_926 : vector<16xi1>, vector<16xf32>
          %select_n3A_937 = arith.select %ge3A_935, %select_n3A_932, %select_n3A_927 : vector<16xi1>, vector<16xi32>
          %select_n3A_938 = arith.select %ge3A_935, %select_n3A_926, %select_n3A_931 : vector<16xi1>, vector<16xf32>
          %select_n3A_939 = arith.select %ge3A_935, %select_n3A_927, %select_n3A_932 : vector<16xi1>, vector<16xi32>
          %ge3A_940 = arith.cmpf oge, %select_n3A_928, %select_n3A_933 : vector<16xf32>
          %select_n3A_941 = arith.select %ge3A_940, %select_n3A_933, %select_n3A_928 : vector<16xi1>, vector<16xf32>
          %select_n3A_942 = arith.select %ge3A_940, %select_n3A_934, %select_n3A_929 : vector<16xi1>, vector<16xi32>
          %select_n3A_943 = arith.select %ge3A_940, %select_n3A_928, %select_n3A_933 : vector<16xi1>, vector<16xf32>
          %select_n3A_944 = arith.select %ge3A_940, %select_n3A_929, %select_n3A_934 : vector<16xi1>, vector<16xi32>
          %masked_sort3A_945 = arith.constant dense<true> : vector<16xi1>
          %masked_sort3A_946, %masked_sort3A_947, %masked_sort3A_948 = tpu.sort %select_n3A_936, %select_n3A_937 masked %masked_sort3A_945 : (vector<16xf32>, vector<16xi32>, vector<16xi1>) -> (vector<16xi1>, vector<16xf32>, vector<16xi32>)
          %masked_sort3A_949 = arith.constant dense<true> : vector<16xi1>
          %masked_sort3A_950, %masked_sort3A_951, %masked_sort3A_952 = tpu.sort %select_n3A_938, %select_n3A_939 masked %masked_sort3A_949 : (vector<16xf32>, vector<16xi32>, vector<16xi1>) -> (vector<16xi1>, vector<16xf32>, vector<16xi32>)
          %masked_sort3A_953 = arith.constant dense<true> : vector<16xi1>
          %masked_sort3A_954, %masked_sort3A_955, %masked_sort3A_956 = tpu.sort %select_n3A_941, %select_n3A_942 masked %masked_sort3A_953 : (vector<16xf32>, vector<16xi32>, vector<16xi1>) -> (vector<16xi1>, vector<16xf32>, vector<16xi32>)
          %masked_sort3A_957 = arith.constant dense<true> : vector<16xi1>
          %masked_sort3A_958, %masked_sort3A_959, %masked_sort3A_960 = tpu.sort %select_n3A_943, %select_n3A_944 masked %masked_sort3A_957 : (vector<16xf32>, vector<16xi32>, vector<16xi1>) -> (vector<16xi1>, vector<16xf32>, vector<16xi32>)
          scf.yield %masked_sort3A_697, %masked_sort3A_701, %masked_sort3A_705, %masked_sort3A_709, %masked_sort3A_698, %masked_sort3A_702, %masked_sort3A_706, %masked_sort3A_710, %masked_sort3A_947, %masked_sort3A_951, %masked_sort3A_955, %masked_sort3A_959, %masked_sort3A_948, %masked_sort3A_952, %masked_sort3A_956, %masked_sort3A_960 : vector<16xf32>, vector<16xf32>, vector<16xf32>, vector<16xf32>, vector<16xi32>, vector<16xi32>, vector<16xi32>, vector<16xi32>, vector<16xf32>, vector<16xf32>, vector<16xf32>, vector<16xf32>, vector<16xi32>, vector<16xi32>, vector<16xi32>, vector<16xi32>
        }
        %scan3A_368 = arith.constant 31 : i32
        %mul3A_369 = arith.constant 2 : i32
        %mul3A_370 = arith.muli %scan3A_75, %mul3A_369 : i32
        %add3A_371 = arith.constant 0 : i32
        %add3A_372 = arith.addi %mul3A_370, %add3A_371 : i32
        %broadcast_in_dim3A_373 = vector.broadcast %add3A_372 : i32 to vector<16xi32>
        %rev3A_374 = arith.constant 15 : i32
        %rev3A_375 = vector.broadcast %rev3A_374 : i32 to vector<16xi32>
        %rev3A_376 = tpu.iota {dimensions = array<i32: 0>} : vector<16xi32>
        %rev3A_377 = arith.subi %rev3A_375, %rev3A_376 : vector<16xi32>
        %rev3A_378 = tpu.dynamic_gather %scan3A_367#7[%rev3A_377] in [0] : vector<16xi32>, vector<16xi32> -> vector<16xi32>
        %swap3A = arith.index_cast %add3A_372 : i32 to index
        %swap3A_379 = arith.constant 0 : index
        %swap3A_380 = tpu.vector_load %arg6[%swap3A, %swap3A_379] {strides = array<i32>} : memref<8x64xi32, #tpu.memory_space<vmem>>, vector<16xi32>,
        tpu.vector_store %arg6[%swap3A, %swap3A_379], %rev3A_378 {strides = array<i32>} : memref<8x64xi32, #tpu.memory_space<vmem>>, vector<16xi32>,
        %rev3A_381 = arith.constant 15 : i32
        %rev3A_382 = vector.broadcast %rev3A_381 : i32 to vector<16xi32>
        %rev3A_383 = tpu.iota {dimensions = array<i32: 0>} : vector<16xi32>
        %rev3A_384 = arith.subi %rev3A_382, %rev3A_383 : vector<16xi32>
        %rev3A_385 = tpu.dynamic_gather %scan3A_367#6[%rev3A_384] in [0] : vector<16xi32>, vector<16xi32> -> vector<16xi32>
        %swap3A_386 = arith.index_cast %add3A_372 : i32 to index
        %swap3A_387 = arith.constant 16 : index
        %swap3A_388 = tpu.vector_load %arg6[%swap3A_386, %swap3A_387] {strides = array<i32>} : memref<8x64xi32, #tpu.memory_space<vmem>>, vector<16xi32>,
        tpu.vector_store %arg6[%swap3A_386, %swap3A_387], %rev3A_385 {strides = array<i32>} : memref<8x64xi32, #tpu.memory_space<vmem>>, vector<16xi32>,
        %rev3A_389 = arith.constant 15 : i32
        %rev3A_390 = vector.broadcast %rev3A_389 : i32 to vector<16xi32>
        %rev3A_391 = tpu.iota {dimensions = array<i32: 0>} : vector<16xi32>
        %rev3A_392 = arith.subi %rev3A_390, %rev3A_391 : vector<16xi32>
        %rev3A_393 = tpu.dynamic_gather %scan3A_367#5[%rev3A_392] in [0] : vector<16xi32>, vector<16xi32> -> vector<16xi32>
        %swap3A_394 = arith.index_cast %add3A_372 : i32 to index
        %swap3A_395 = arith.constant 32 : index
        %swap3A_396 = tpu.vector_load %arg6[%swap3A_394, %swap3A_395] {strides = array<i32>} : memref<8x64xi32, #tpu.memory_space<vmem>>, vector<16xi32>,
        tpu.vector_store %arg6[%swap3A_394, %swap3A_395], %rev3A_393 {strides = array<i32>} : memref<8x64xi32, #tpu.memory_space<vmem>>, vector<16xi32>,
        %rev3A_397 = arith.constant 15 : i32
        %rev3A_398 = vector.broadcast %rev3A_397 : i32 to vector<16xi32>
        %rev3A_399 = tpu.iota {dimensions = array<i32: 0>} : vector<16xi32>
        %rev3A_400 = arith.subi %rev3A_398, %rev3A_399 : vector<16xi32>
        %rev3A_401 = tpu.dynamic_gather %scan3A_367#4[%rev3A_400] in [0] : vector<16xi32>, vector<16xi32> -> vector<16xi32>
        %swap3A_402 = arith.index_cast %add3A_372 : i32 to index
        %swap3A_403 = arith.constant 48 : index
        %swap3A_404 = tpu.vector_load %arg6[%swap3A_402, %swap3A_403] {strides = array<i32>} : memref<8x64xi32, #tpu.memory_space<vmem>>, vector<16xi32>,
        tpu.vector_store %arg6[%swap3A_402, %swap3A_403], %rev3A_401 {strides = array<i32>} : memref<8x64xi32, #tpu.memory_space<vmem>>, vector<16xi32>,
        tpu.vector_store_idx %arg7[%broadcast_in_dim3A_373, %scan3A_367#4], %broadcast_in_dim3A_3 : memref<8x2048xf32, #tpu.memory_space<vmem>>[vector<16xi32>, vector<16xi32>], vector<16xf32>,
        tpu.vector_store_idx %arg7[%broadcast_in_dim3A_373, %scan3A_367#5], %broadcast_in_dim3A_3 : memref<8x2048xf32, #tpu.memory_space<vmem>>[vector<16xi32>, vector<16xi32>], vector<16xf32>,
        tpu.vector_store_idx %arg7[%broadcast_in_dim3A_373, %scan3A_367#6], %broadcast_in_dim3A_3 : memref<8x2048xf32, #tpu.memory_space<vmem>>[vector<16xi32>, vector<16xi32>], vector<16xf32>,
        tpu.vector_store_idx %arg7[%broadcast_in_dim3A_373, %scan3A_367#7], %broadcast_in_dim3A_3 : memref<8x2048xf32, #tpu.memory_space<vmem>>[vector<16xi32>, vector<16xi32>], vector<16xf32>,
        %mul3A_405 = arith.constant 2 : i32
        %mul3A_406 = arith.muli %scan3A_75, %mul3A_405 : i32
        %add3A_407 = arith.constant 1 : i32
        %add3A_408 = arith.addi %mul3A_406, %add3A_407 : i32
        %broadcast_in_dim3A_409 = vector.broadcast %add3A_408 : i32 to vector<16xi32>
        %rev3A_410 = arith.constant 15 : i32
        %rev3A_411 = vector.broadcast %rev3A_410 : i32 to vector<16xi32>
        %rev3A_412 = tpu.iota {dimensions = array<i32: 0>} : vector<16xi32>
        %rev3A_413 = arith.subi %rev3A_411, %rev3A_412 : vector<16xi32>
        %rev3A_414 = tpu.dynamic_gather %scan3A_367#15[%rev3A_413] in [0] : vector<16xi32>, vector<16xi32> -> vector<16xi32>
        %swap3A_415 = arith.index_cast %add3A_408 : i32 to index
        %swap3A_416 = arith.constant 0 : index
        %swap3A_417 = tpu.vector_load %arg6[%swap3A_415, %swap3A_416] {strides = array<i32>} : memref<8x64xi32, #tpu.memory_space<vmem>>, vector<16xi32>,
        tpu.vector_store %arg6[%swap3A_415, %swap3A_416], %rev3A_414 {strides = array<i32>} : memref<8x64xi32, #tpu.memory_space<vmem>>, vector<16xi32>,
        %rev3A_418 = arith.constant 15 : i32
        %rev3A_419 = vector.broadcast %rev3A_418 : i32 to vector<16xi32>
        %rev3A_420 = tpu.iota {dimensions = array<i32: 0>} : vector<16xi32>
        %rev3A_421 = arith.subi %rev3A_419, %rev3A_420 : vector<16xi32>
        %rev3A_422 = tpu.dynamic_gather %scan3A_367#14[%rev3A_421] in [0] : vector<16xi32>, vector<16xi32> -> vector<16xi32>
        %swap3A_423 = arith.index_cast %add3A_408 : i32 to index
        %swap3A_424 = arith.constant 16 : index
        %swap3A_425 = tpu.vector_load %arg6[%swap3A_423, %swap3A_424] {strides = array<i32>} : memref<8x64xi32, #tpu.memory_space<vmem>>, vector<16xi32>,
        tpu.vector_store %arg6[%swap3A_423, %swap3A_424], %rev3A_422 {strides = array<i32>} : memref<8x64xi32, #tpu.memory_space<vmem>>, vector<16xi32>,
        %rev3A_426 = arith.constant 15 : i32
        %rev3A_427 = vector.broadcast %rev3A_426 : i32 to vector<16xi32>
        %rev3A_428 = tpu.iota {dimensions = array<i32: 0>} : vector<16xi32>
        %rev3A_429 = arith.subi %rev3A_427, %rev3A_428 : vector<16xi32>
        %rev3A_430 = tpu.dynamic_gather %scan3A_367#13[%rev3A_429] in [0] : vector<16xi32>, vector<16xi32> -> vector<16xi32>
        %swap3A_431 = arith.index_cast %add3A_408 : i32 to index
        %swap3A_432 = arith.constant 32 : index
        %swap3A_433 = tpu.vector_load %arg6[%swap3A_431, %swap3A_432] {strides = array<i32>} : memref<8x64xi32, #tpu.memory_space<vmem>>, vector<16xi32>,
        tpu.vector_store %arg6[%swap3A_431, %swap3A_432], %rev3A_430 {strides = array<i32>} : memref<8x64xi32, #tpu.memory_space<vmem>>, vector<16xi32>,
        %rev3A_434 = arith.constant 15 : i32
        %rev3A_435 = vector.broadcast %rev3A_434 : i32 to vector<16xi32>
        %rev3A_436 = tpu.iota {dimensions = array<i32: 0>} : vector<16xi32>
        %rev3A_437 = arith.subi %rev3A_435, %rev3A_436 : vector<16xi32>
        %rev3A_438 = tpu.dynamic_gather %scan3A_367#12[%rev3A_437] in [0] : vector<16xi32>, vector<16xi32> -> vector<16xi32>
        %swap3A_439 = arith.index_cast %add3A_408 : i32 to index
        %swap3A_440 = arith.constant 48 : index
        %swap3A_441 = tpu.vector_load %arg6[%swap3A_439, %swap3A_440] {strides = array<i32>} : memref<8x64xi32, #tpu.memory_space<vmem>>, vector<16xi32>,
        tpu.vector_store %arg6[%swap3A_439, %swap3A_440], %rev3A_438 {strides = array<i32>} : memref<8x64xi32, #tpu.memory_space<vmem>>, vector<16xi32>,
        tpu.vector_store_idx %arg7[%broadcast_in_dim3A_409, %scan3A_367#12], %broadcast_in_dim3A_3 : memref<8x2048xf32, #tpu.memory_space<vmem>>[vector<16xi32>, vector<16xi32>], vector<16xf32>,
        tpu.vector_store_idx %arg7[%broadcast_in_dim3A_409, %scan3A_367#13], %broadcast_in_dim3A_3 : memref<8x2048xf32, #tpu.memory_space<vmem>>[vector<16xi32>, vector<16xi32>], vector<16xf32>,
        tpu.vector_store_idx %arg7[%broadcast_in_dim3A_409, %scan3A_367#14], %broadcast_in_dim3A_3 : memref<8x2048xf32, #tpu.memory_space<vmem>>[vector<16xi32>, vector<16xi32>], vector<16xf32>,
        tpu.vector_store_idx %arg7[%broadcast_in_dim3A_409, %scan3A_367#15], %broadcast_in_dim3A_3 : memref<8x2048xf32, #tpu.memory_space<vmem>>[vector<16xi32>, vector<16xi32>], vector<16xf32>,
      }
      %scan3A_68 = arith.constant 4 : i32
      "tpu.region"() ({
        %run_scoped3A = tpu.sem_alloc : memref<!tpu.dma_semaphore, #tpu.memory_space<semaphore_mem>>
        %dma_start3A = arith.constant 0 : i32
        %dma_start3A_75 = tpu.memref_slice %arg3[%add3A_62, %dma_start3A] : memref<2048x64xi32, #tpu.memory_space<hbm>> -> memref<8x64xi32, #tpu.memory_space<hbm>>
        %dma_start3A_76 = arith.constant 0 : i32
        %dma_start3A_77 = tpu.memref_slice %arg3[%add3A_62, %dma_start3A_76] : memref<2048x64xi32, #tpu.memory_space<hbm>> -> memref<8x64xi32, #tpu.memory_space<hbm>>
        tpu.enqueue_dma source(%arg6 : memref<8x64xi32, #tpu.memory_space<vmem>>) target(%dma_start3A_77 : memref<8x64xi32, #tpu.memory_space<hbm>>) target_semaphore(%run_scoped3A : memref<!tpu.dma_semaphore, #tpu.memory_space<semaphore_mem>>)
        %dma_wait3A = arith.constant 0 : i32
        %dma_wait3A_78 = tpu.memref_slice %arg3[%add3A_62, %dma_wait3A] : memref<2048x64xi32, #tpu.memory_space<hbm>> -> memref<8x64xi32, #tpu.memory_space<hbm>>
        %dma_wait3A_79 = arith.constant 0 : i32
        %dma_wait3A_80 = tpu.memref_slice %arg3[%add3A_62, %dma_wait3A_79] : memref<2048x64xi32, #tpu.memory_space<hbm>> -> memref<8x64xi32, #tpu.memory_space<hbm>>
        tpu.wait_dma2 semaphore(%run_scoped3A : memref<!tpu.dma_semaphore, #tpu.memory_space<semaphore_mem>>) src(%arg6 : memref<8x64xi32, #tpu.memory_space<vmem>>) dst(%dma_wait3A_80 : memref<8x64xi32, #tpu.memory_space<hbm>>)
        tpu.yield
      }) : () -> ()
      "tpu.region"() ({
        %run_scoped3A = tpu.sem_alloc : memref<!tpu.dma_semaphore, #tpu.memory_space<semaphore_mem>>
        %dma_start3A = arith.constant 0 : i32
        %dma_start3A_75 = tpu.memref_slice %arg4[%add3A_62, %dma_start3A] : memref<2048x2048xf32, #tpu.memory_space<hbm>> -> memref<8x2048xf32, #tpu.memory_space<hbm>>
        %dma_start3A_76 = arith.constant 0 : i32
        %dma_start3A_77 = tpu.memref_slice %arg4[%add3A_62, %dma_start3A_76] : memref<2048x2048xf32, #tpu.memory_space<hbm>> -> memref<8x2048xf32, #tpu.memory_space<hbm>>
        tpu.enqueue_dma source(%arg7 : memref<8x2048xf32, #tpu.memory_space<vmem>>) target(%dma_start3A_77 : memref<8x2048xf32, #tpu.memory_space<hbm>>) target_semaphore(%run_scoped3A : memref<!tpu.dma_semaphore, #tpu.memory_space<semaphore_mem>>)
        %dma_wait3A = arith.constant 0 : i32
        %dma_wait3A_78 = tpu.memref_slice %arg4[%add3A_62, %dma_wait3A] : memref<2048x2048xf32, #tpu.memory_space<hbm>> -> memref<8x2048xf32, #tpu.memory_space<hbm>>
        %dma_wait3A_79 = arith.constant 0 : i32
        %dma_wait3A_80 = tpu.memref_slice %arg4[%add3A_62, %dma_wait3A_79] : memref<2048x2048xf32, #tpu.memory_space<hbm>> -> memref<8x2048xf32, #tpu.memory_space<hbm>>
        tpu.wait_dma2 semaphore(%run_scoped3A : memref<!tpu.dma_semaphore, #tpu.memory_space<semaphore_mem>>) src(%arg7 : memref<8x2048xf32, #tpu.memory_space<vmem>>) dst(%dma_wait3A_80 : memref<8x2048xf32, #tpu.memory_space<hbm>>)
        tpu.yield
      }) : () -> ()
      %scan3A_69 = arith.constant 0 : i32
      %scan3A_70 = arith.constant 0 : i32
      %scan3A_71 = arith.constant 8 : i32
      %scan3A_72 = arith.addi %scan3A_70, %scan3A_71 : i32
      %scan3A_73 = arith.constant 1 : i32
      scf.for %scan3A_75 = %scan3A_70 to %scan3A_72 step %scan3A_73  : i32 {
        %broadcast_in_dim3A_76 = vector.broadcast %scan3A_75 : i32 to vector<16xi32>
        %get3A = arith.index_cast %scan3A_75 : i32 to index
        %get3A_77 = arith.constant 0 : index
        %get3A_78 = tpu.vector_load %arg6[%get3A, %get3A_77] {strides = array<i32>} : memref<8x64xi32, #tpu.memory_space<vmem>>, vector<16xi32>,
        tpu.vector_store_idx %arg7[%broadcast_in_dim3A_76, %get3A_78], %broadcast_in_dim3A_1 : memref<8x2048xf32, #tpu.memory_space<vmem>>[vector<16xi32>, vector<16xi32>], vector<16xf32>,
        %get3A_79 = arith.index_cast %scan3A_75 : i32 to index
        %get3A_80 = arith.constant 16 : index
        %get3A_81 = tpu.vector_load %arg6[%get3A_79, %get3A_80] {strides = array<i32>} : memref<8x64xi32, #tpu.memory_space<vmem>>, vector<16xi32>,
        tpu.vector_store_idx %arg7[%broadcast_in_dim3A_76, %get3A_81], %broadcast_in_dim3A_1 : memref<8x2048xf32, #tpu.memory_space<vmem>>[vector<16xi32>, vector<16xi32>], vector<16xf32>,
        %get3A_82 = arith.index_cast %scan3A_75 : i32 to index
        %get3A_83 = arith.constant 32 : index
        %get3A_84 = tpu.vector_load %arg6[%get3A_82, %get3A_83] {strides = array<i32>} : memref<8x64xi32, #tpu.memory_space<vmem>>, vector<16xi32>,
        tpu.vector_store_idx %arg7[%broadcast_in_dim3A_76, %get3A_84], %broadcast_in_dim3A_1 : memref<8x2048xf32, #tpu.memory_space<vmem>>[vector<16xi32>, vector<16xi32>], vector<16xf32>,
        %get3A_85 = arith.index_cast %scan3A_75 : i32 to index
        %get3A_86 = arith.constant 48 : index
        %get3A_87 = tpu.vector_load %arg6[%get3A_85, %get3A_86] {strides = array<i32>} : memref<8x64xi32, #tpu.memory_space<vmem>>, vector<16xi32>,
        tpu.vector_store_idx %arg7[%broadcast_in_dim3A_76, %get3A_87], %broadcast_in_dim3A_1 : memref<8x2048xf32, #tpu.memory_space<vmem>>[vector<16xi32>, vector<16xi32>], vector<16xf32>,
      }
      %scan3A_74 = arith.constant 8 : i32
    }
    %scan3A_56 = arith.constant 8 : i32
    return
  }
}

module attributes {stable_mosaic.version = 14 : i64} {
  func.func @_k_kernel(%arg0: i32, %arg1: memref<512x2048xf32, #tpu.memory_space<vmem>>, %arg2: memref<2048x128xf32, #tpu.memory_space<vmem>>, %arg3: memref<512x32xf32, #tpu.memory_space<vmem>>, %arg4: memref<512x32xf32, #tpu.memory_space<vmem>>, %arg5: memref<1x128xf32, #tpu.memory_space<vmem>>, %arg6: memref<1x128xf32, #tpu.memory_space<vmem>>, %arg7: memref<512x128xf32, #tpu.memory_space<vmem>>) attributes {dimension_semantics = [#tpu.dimension_semantics<arbitrary>], iteration_bounds = array<i64: 4>, scalar_prefetch = 0 : i64, scratch_operands = 0 : i64, tpu.core_type = #tpu.core_type<tc>, window_params = [{transform_indices = @transform_0, window_bounds = array<i64: 512, 2048>}, {pipeline_mode = #tpu.pipeline_mode<synchronous>, transform_indices = @transform_1, window_bounds = array<i64: 2048, 128>}, {transform_indices = @transform_2, window_bounds = array<i64: 512, 32>}, {transform_indices = @transform_3, window_bounds = array<i64: 512, 32>}, {pipeline_mode = #tpu.pipeline_mode<synchronous>, transform_indices = @transform_4, window_bounds = array<i64: 1, 128>}, {pipeline_mode = #tpu.pipeline_mode<synchronous>, transform_indices = @transform_5, window_bounds = array<i64: 1, 128>}, {transform_indices = @transform_6, window_bounds = array<i64: 512, 128>}]} {
    %get3A = arith.constant 0 : index
    %get3A_0 = arith.constant 0 : index
    %get3A_1 = vector.load %arg1[%get3A, %get3A_0] : memref<512x2048xf32, #tpu.memory_space<vmem>>, vector<512x2048xf32>
    %get3A_2 = arith.constant 0 : index
    %get3A_3 = arith.constant 0 : index
    %get3A_4 = vector.load %arg2[%get3A_2, %get3A_3] : memref<2048x128xf32, #tpu.memory_space<vmem>>, vector<2048x128xf32>
    %dot_general3A = arith.constant dense<0.000000e+00> : vector<512x128xf32>
    %dot_general3A_5 = tpu.matmul %get3A_1, %get3A_4, %dot_general3A {dimension_numbers = #tpu.dot_dimension_numbers<[1], [0], [0], [1], [0, 0, 1, 1], [], []>, transpose_lhs_hint = false} : vector<512x2048xf32>, vector<2048x128xf32>, vector<512x128xf32> -> vector<512x128xf32>
    %reduce_sum3A = arith.constant dense<0.000000e+00> : vector<512xf32>
    %reduce_sum3A_6 = vector.multi_reduction <add>, %dot_general3A_5, %reduce_sum3A [1] : vector<512x128xf32> to vector<512xf32>
    %broadcast_in_dim3A = vector.shape_cast %reduce_sum3A_6 : vector<512xf32> to vector<512x1xf32>
    %div3A = arith.constant 1.280000e+02 : f32
    %div3A_7 = vector.broadcast %div3A : f32 to vector<512x1xf32>
    %div3A_8 = arith.divf %broadcast_in_dim3A, %div3A_7 : vector<512x1xf32>
    %sub3A = vector.broadcast %div3A_8 : vector<512x1xf32> to vector<512x128xf32>
    %sub3A_9 = arith.subf %dot_general3A_5, %sub3A : vector<512x128xf32>
    %integer_pow3A = arith.mulf %sub3A_9, %sub3A_9 : vector<512x128xf32>
    %reduce_sum3A_10 = arith.constant dense<0.000000e+00> : vector<512xf32>
    %reduce_sum3A_11 = vector.multi_reduction <add>, %integer_pow3A, %reduce_sum3A_10 [1] : vector<512x128xf32> to vector<512xf32>
    %broadcast_in_dim3A_12 = vector.shape_cast %reduce_sum3A_11 : vector<512xf32> to vector<512x1xf32>
    %div3A_13 = arith.constant 1.280000e+02 : f32
    %div3A_14 = vector.broadcast %div3A_13 : f32 to vector<512x1xf32>
    %div3A_15 = arith.divf %broadcast_in_dim3A_12, %div3A_14 : vector<512x1xf32>
    %sub3A_16 = vector.broadcast %div3A_8 : vector<512x1xf32> to vector<512x128xf32>
    %sub3A_17 = arith.subf %dot_general3A_5, %sub3A_16 : vector<512x128xf32>
    %add3A = arith.constant 9.99999997E-7 : f32
    %add3A_18 = vector.broadcast %add3A : f32 to vector<512x1xf32>
    %add3A_19 = arith.addf %div3A_15, %add3A_18 : vector<512x1xf32>
    %rsqrt3A = math.rsqrt %add3A_19 : vector<512x1xf32>
    %mul3A = vector.broadcast %rsqrt3A : vector<512x1xf32> to vector<512x128xf32>
    %mul3A_20 = arith.mulf %sub3A_17, %mul3A : vector<512x128xf32>
    %get3A_21 = arith.constant 0 : index
    %get3A_22 = arith.constant 0 : index
    %get3A_23 = vector.load %arg5[%get3A_21, %get3A_22] : memref<1x128xf32, #tpu.memory_space<vmem>>, vector<1x128xf32>
    %mul3A_24 = vector.broadcast %get3A_23 : vector<1x128xf32> to vector<512x128xf32>
    %mul3A_25 = arith.mulf %mul3A_20, %mul3A_24 : vector<512x128xf32>
    %get3A_26 = arith.constant 0 : index
    %get3A_27 = arith.constant 0 : index
    %get3A_28 = vector.load %arg6[%get3A_26, %get3A_27] : memref<1x128xf32, #tpu.memory_space<vmem>>, vector<1x128xf32>
    %add3A_29 = vector.broadcast %get3A_28 : vector<1x128xf32> to vector<512x128xf32>
    %add3A_30 = arith.addf %mul3A_25, %add3A_29 : vector<512x128xf32>
    %get3A_31 = arith.constant 0 : index
    %get3A_32 = arith.constant 0 : index
    %get3A_33 = vector.load %arg3[%get3A_31, %get3A_32] : memref<512x32xf32, #tpu.memory_space<vmem>>, vector<512x32xf32>
    %get3A_34 = arith.constant 0 : index
    %get3A_35 = arith.constant 0 : index
    %get3A_36 = vector.load %arg4[%get3A_34, %get3A_35] : memref<512x32xf32, #tpu.memory_space<vmem>>, vector<512x32xf32>
    %slice3A = vector.extract_strided_slice %add3A_30 {offsets = [0, 0], sizes = [512, 32], strides = [1, 1]} : vector<512x128xf32> to vector<512x32xf32>
    %slice3A_37 = vector.extract_strided_slice %add3A_30 {offsets = [0, 32], sizes = [512, 32], strides = [1, 1]} : vector<512x128xf32> to vector<512x32xf32>
    %slice3A_38 = vector.extract_strided_slice %add3A_30 {offsets = [0, 64], sizes = [512, 64], strides = [1, 1]} : vector<512x128xf32> to vector<512x64xf32>
    %mul3A_39 = arith.mulf %slice3A, %get3A_33 : vector<512x32xf32>
    %mul3A_40 = arith.mulf %slice3A_37, %get3A_36 : vector<512x32xf32>
    %sub3A_41 = arith.subf %mul3A_39, %mul3A_40 : vector<512x32xf32>
    %mul3A_42 = arith.mulf %slice3A_37, %get3A_33 : vector<512x32xf32>
    %mul3A_43 = arith.mulf %slice3A, %get3A_36 : vector<512x32xf32>
    %add3A_44 = arith.addf %mul3A_42, %mul3A_43 : vector<512x32xf32>
    %concatenate3A = tpu.concatenate %sub3A_41, %add3A_44, %slice3A_38 in 1 : vector<512x32xf32>, vector<512x32xf32>, vector<512x64xf32> -> vector<512x128xf32>
    %swap3A = arith.constant 0 : index
    %swap3A_45 = arith.constant 0 : index
    %swap3A_46 = vector.load %arg7[%swap3A, %swap3A_45] : memref<512x128xf32, #tpu.memory_space<vmem>>, vector<512x128xf32>
    tpu.vector_store %arg7[%swap3A, %swap3A_45], %concatenate3A {strides = array<i32>} : memref<512x128xf32, #tpu.memory_space<vmem>>, vector<512x128xf32>,
    return
  }
  func.func @transform_0(%arg0: i32) -> (i32, i32) {
    %c0_i32 = arith.constant 0 : i32
    %c0_i32_0 = arith.constant 0 : i32
    return %arg0, %c0_i32 : i32, i32
  }
  func.func @transform_1(%arg0: i32) -> (i32, i32) {
    %c0_i32 = arith.constant 0 : i32
    %c0_i32_0 = arith.constant 0 : i32
    %c0_i32_1 = arith.constant 0 : i32
    return %c0_i32, %c0_i32_0 : i32, i32
  }
  func.func @transform_2(%arg0: i32) -> (i32, i32) {
    %c0_i32 = arith.constant 0 : i32
    %c0_i32_0 = arith.constant 0 : i32
    return %arg0, %c0_i32 : i32, i32
  }
  func.func @transform_3(%arg0: i32) -> (i32, i32) {
    %c0_i32 = arith.constant 0 : i32
    %c0_i32_0 = arith.constant 0 : i32
    return %arg0, %c0_i32 : i32, i32
  }
  func.func @transform_4(%arg0: i32) -> (i32, i32) {
    %c0_i32 = arith.constant 0 : i32
    %c0_i32_0 = arith.constant 0 : i32
    %c0_i32_1 = arith.constant 0 : i32
    return %c0_i32, %c0_i32_0 : i32, i32
  }
  func.func @transform_5(%arg0: i32) -> (i32, i32) {
    %c0_i32 = arith.constant 0 : i32
    %c0_i32_0 = arith.constant 0 : i32
    %c0_i32_1 = arith.constant 0 : i32
    return %c0_i32, %c0_i32_0 : i32, i32
  }
  func.func @transform_6(%arg0: i32) -> (i32, i32) {
    %c0_i32 = arith.constant 0 : i32
    %c0_i32_0 = arith.constant 0 : i32
    return %arg0, %c0_i32 : i32, i32
  }
}

module attributes {stable_mosaic.version = 14 : i64} {
  func.func @_score_kernel(%arg0: i32, %arg1: memref<256x1536xf32, #tpu.memory_space<vmem>>, %arg2: memref<1536x2048xf32, #tpu.memory_space<vmem>>, %arg3: memref<256x2048xf32, #tpu.memory_space<vmem>>, %arg4: memref<2048x16xf32, #tpu.memory_space<vmem>>, %arg5: memref<2048x128xf32, #tpu.memory_space<vmem>>, %arg6: memref<256x32xf32, #tpu.memory_space<vmem>>, %arg7: memref<256x32xf32, #tpu.memory_space<vmem>>, %arg8: memref<256x2048xf32, #tpu.memory_space<vmem>>) attributes {dimension_semantics = [#tpu.dimension_semantics<arbitrary>], iteration_bounds = array<i64: 8>, scalar_prefetch = 0 : i64, scratch_operands = 0 : i64, tpu.core_type = #tpu.core_type<tc>, window_params = [{transform_indices = @transform_0, window_bounds = array<i64: 256, 1536>}, {pipeline_mode = #tpu.pipeline_mode<synchronous>, transform_indices = @transform_1, window_bounds = array<i64: 1536, 2048>}, {transform_indices = @transform_2, window_bounds = array<i64: 256, 2048>}, {pipeline_mode = #tpu.pipeline_mode<synchronous>, transform_indices = @transform_3, window_bounds = array<i64: 2048, 16>}, {pipeline_mode = #tpu.pipeline_mode<synchronous>, transform_indices = @transform_4, window_bounds = array<i64: 2048, 128>}, {transform_indices = @transform_5, window_bounds = array<i64: 256, 32>}, {transform_indices = @transform_6, window_bounds = array<i64: 256, 32>}, {transform_indices = @transform_7, window_bounds = array<i64: 256, 2048>}]} {
    %get3A = arith.constant 0 : index
    %get3A_0 = arith.constant 0 : index
    %get3A_1 = vector.load %arg1[%get3A, %get3A_0] : memref<256x1536xf32, #tpu.memory_space<vmem>>, vector<256x1536xf32>
    %get3A_2 = arith.constant 0 : index
    %get3A_3 = arith.constant 0 : index
    %get3A_4 = vector.load %arg2[%get3A_2, %get3A_3] : memref<1536x2048xf32, #tpu.memory_space<vmem>>, vector<1536x2048xf32>
    %dot_general3A = arith.constant dense<0.000000e+00> : vector<256x2048xf32>
    %dot_general3A_5 = tpu.matmul %get3A_1, %get3A_4, %dot_general3A {dimension_numbers = #tpu.dot_dimension_numbers<[1], [0], [0], [1], [0, 0, 1, 1], [], []>, transpose_lhs_hint = false} : vector<256x1536xf32>, vector<1536x2048xf32>, vector<256x2048xf32> -> vector<256x2048xf32>
    %get3A_6 = arith.constant 0 : index
    %get3A_7 = arith.constant 0 : index
    %get3A_8 = vector.load %arg3[%get3A_6, %get3A_7] : memref<256x2048xf32, #tpu.memory_space<vmem>>, vector<256x2048xf32>
    %get3A_9 = arith.constant 0 : index
    %get3A_10 = arith.constant 0 : index
    %get3A_11 = vector.load %arg4[%get3A_9, %get3A_10] : memref<2048x16xf32, #tpu.memory_space<vmem>>, vector<2048x16xf32>
    %dot_general3A_12 = arith.constant dense<0.000000e+00> : vector<256x16xf32>
    %dot_general3A_13 = tpu.matmul %get3A_8, %get3A_11, %dot_general3A_12 {dimension_numbers = #tpu.dot_dimension_numbers<[1], [0], [0], [1], [0, 0, 1, 1], [], []>, transpose_lhs_hint = false} : vector<256x2048xf32>, vector<2048x16xf32>, vector<256x16xf32> -> vector<256x16xf32>
    %mul3A = arith.constant 0.0220970865 : f32
    %mul3A_14 = vector.broadcast %mul3A : f32 to vector<256x16xf32>
    %mul3A_15 = arith.mulf %dot_general3A_13, %mul3A_14 : vector<256x16xf32>
    %get3A_16 = arith.constant 0 : index
    %get3A_17 = arith.constant 0 : index
    %get3A_18 = vector.load %arg6[%get3A_16, %get3A_17] : memref<256x32xf32, #tpu.memory_space<vmem>>, vector<256x32xf32>
    %get3A_19 = arith.constant 0 : index
    %get3A_20 = arith.constant 0 : index
    %get3A_21 = vector.load %arg7[%get3A_19, %get3A_20] : memref<256x32xf32, #tpu.memory_space<vmem>>, vector<256x32xf32>
    %get3A_22 = arith.constant 0 : index
    %get3A_23 = arith.constant 0 : index
    %get3A_24 = vector.load %arg5[%get3A_22, %get3A_23] : memref<2048x128xf32, #tpu.memory_space<vmem>>, vector<2048x128xf32>
    %broadcast_in_dim3A = arith.constant 0.000000e+00 : f32
    %broadcast_in_dim3A_25 = vector.broadcast %broadcast_in_dim3A : f32 to vector<256x2048xf32>
    %slice3A = vector.extract_strided_slice %dot_general3A_5 {offsets = [0, 0], sizes = [256, 128], strides = [1, 1]} : vector<256x2048xf32> to vector<256x128xf32>
    %slice3A_26 = vector.extract_strided_slice %slice3A {offsets = [0, 0], sizes = [256, 32], strides = [1, 1]} : vector<256x128xf32> to vector<256x32xf32>
    %slice3A_27 = vector.extract_strided_slice %slice3A {offsets = [0, 32], sizes = [256, 32], strides = [1, 1]} : vector<256x128xf32> to vector<256x32xf32>
    %slice3A_28 = vector.extract_strided_slice %slice3A {offsets = [0, 64], sizes = [256, 64], strides = [1, 1]} : vector<256x128xf32> to vector<256x64xf32>
    %mul3A_29 = arith.mulf %slice3A_26, %get3A_18 : vector<256x32xf32>
    %mul3A_30 = arith.mulf %slice3A_27, %get3A_21 : vector<256x32xf32>
    %sub3A = arith.subf %mul3A_29, %mul3A_30 : vector<256x32xf32>
    %mul3A_31 = arith.mulf %slice3A_27, %get3A_18 : vector<256x32xf32>
    %mul3A_32 = arith.mulf %slice3A_26, %get3A_21 : vector<256x32xf32>
    %add3A = arith.addf %mul3A_31, %mul3A_32 : vector<256x32xf32>
    %concatenate3A = tpu.concatenate %sub3A, %add3A, %slice3A_28 in 1 : vector<256x32xf32>, vector<256x32xf32>, vector<256x64xf32> -> vector<256x128xf32>
    %dot_general3A_33 = arith.constant dense<0.000000e+00> : vector<256x2048xf32>
    %dot_general3A_34 = tpu.matmul %concatenate3A, %get3A_24, %dot_general3A_33 {dimension_numbers = #tpu.dot_dimension_numbers<[1], [1], [0], [0], [0, 0, 1, 0], [], []>, transpose_lhs_hint = false} : vector<256x128xf32>, vector<2048x128xf32>, vector<256x2048xf32> -> vector<256x2048xf32>
    %max3A = arith.constant 0.000000e+00 : f32
    %max3A_35 = vector.broadcast %max3A : f32 to vector<256x2048xf32>
    %max3A_36 = arith.maximumf %dot_general3A_34, %max3A_35 : vector<256x2048xf32>
    %slice3A_37 = vector.extract_strided_slice %mul3A_15 {offsets = [0, 0], sizes = [256, 1], strides = [1, 1]} : vector<256x16xf32> to vector<256x1xf32>
    %mul3A_38 = vector.broadcast %slice3A_37 : vector<256x1xf32> to vector<256x2048xf32>
    %mul3A_39 = arith.mulf %max3A_36, %mul3A_38 : vector<256x2048xf32>
    %add3A_40 = arith.addf %broadcast_in_dim3A_25, %mul3A_39 : vector<256x2048xf32>
    %slice3A_41 = vector.extract_strided_slice %dot_general3A_5 {offsets = [0, 128], sizes = [256, 128], strides = [1, 1]} : vector<256x2048xf32> to vector<256x128xf32>
    %slice3A_42 = vector.extract_strided_slice %slice3A_41 {offsets = [0, 0], sizes = [256, 32], strides = [1, 1]} : vector<256x128xf32> to vector<256x32xf32>
    %slice3A_43 = vector.extract_strided_slice %slice3A_41 {offsets = [0, 32], sizes = [256, 32], strides = [1, 1]} : vector<256x128xf32> to vector<256x32xf32>
    %slice3A_44 = vector.extract_strided_slice %slice3A_41 {offsets = [0, 64], sizes = [256, 64], strides = [1, 1]} : vector<256x128xf32> to vector<256x64xf32>
    %mul3A_45 = arith.mulf %slice3A_42, %get3A_18 : vector<256x32xf32>
    %mul3A_46 = arith.mulf %slice3A_43, %get3A_21 : vector<256x32xf32>
    %sub3A_47 = arith.subf %mul3A_45, %mul3A_46 : vector<256x32xf32>
    %mul3A_48 = arith.mulf %slice3A_43, %get3A_18 : vector<256x32xf32>
    %mul3A_49 = arith.mulf %slice3A_42, %get3A_21 : vector<256x32xf32>
    %add3A_50 = arith.addf %mul3A_48, %mul3A_49 : vector<256x32xf32>
    %concatenate3A_51 = tpu.concatenate %sub3A_47, %add3A_50, %slice3A_44 in 1 : vector<256x32xf32>, vector<256x32xf32>, vector<256x64xf32> -> vector<256x128xf32>
    %dot_general3A_52 = arith.constant dense<0.000000e+00> : vector<256x2048xf32>
    %dot_general3A_53 = tpu.matmul %concatenate3A_51, %get3A_24, %dot_general3A_52 {dimension_numbers = #tpu.dot_dimension_numbers<[1], [1], [0], [0], [0, 0, 1, 0], [], []>, transpose_lhs_hint = false} : vector<256x128xf32>, vector<2048x128xf32>, vector<256x2048xf32> -> vector<256x2048xf32>
    %max3A_54 = arith.constant 0.000000e+00 : f32
    %max3A_55 = vector.broadcast %max3A_54 : f32 to vector<256x2048xf32>
    %max3A_56 = arith.maximumf %dot_general3A_53, %max3A_55 : vector<256x2048xf32>
    %slice3A_57 = vector.extract_strided_slice %mul3A_15 {offsets = [0, 1], sizes = [256, 1], strides = [1, 1]} : vector<256x16xf32> to vector<256x1xf32>
    %mul3A_58 = vector.broadcast %slice3A_57 : vector<256x1xf32> to vector<256x2048xf32>
    %mul3A_59 = arith.mulf %max3A_56, %mul3A_58 : vector<256x2048xf32>
    %add3A_60 = arith.addf %add3A_40, %mul3A_59 : vector<256x2048xf32>
    %slice3A_61 = vector.extract_strided_slice %dot_general3A_5 {offsets = [0, 256], sizes = [256, 128], strides = [1, 1]} : vector<256x2048xf32> to vector<256x128xf32>
    %slice3A_62 = vector.extract_strided_slice %slice3A_61 {offsets = [0, 0], sizes = [256, 32], strides = [1, 1]} : vector<256x128xf32> to vector<256x32xf32>
    %slice3A_63 = vector.extract_strided_slice %slice3A_61 {offsets = [0, 32], sizes = [256, 32], strides = [1, 1]} : vector<256x128xf32> to vector<256x32xf32>
    %slice3A_64 = vector.extract_strided_slice %slice3A_61 {offsets = [0, 64], sizes = [256, 64], strides = [1, 1]} : vector<256x128xf32> to vector<256x64xf32>
    %mul3A_65 = arith.mulf %slice3A_62, %get3A_18 : vector<256x32xf32>
    %mul3A_66 = arith.mulf %slice3A_63, %get3A_21 : vector<256x32xf32>
    %sub3A_67 = arith.subf %mul3A_65, %mul3A_66 : vector<256x32xf32>
    %mul3A_68 = arith.mulf %slice3A_63, %get3A_18 : vector<256x32xf32>
    %mul3A_69 = arith.mulf %slice3A_62, %get3A_21 : vector<256x32xf32>
    %add3A_70 = arith.addf %mul3A_68, %mul3A_69 : vector<256x32xf32>
    %concatenate3A_71 = tpu.concatenate %sub3A_67, %add3A_70, %slice3A_64 in 1 : vector<256x32xf32>, vector<256x32xf32>, vector<256x64xf32> -> vector<256x128xf32>
    %dot_general3A_72 = arith.constant dense<0.000000e+00> : vector<256x2048xf32>
    %dot_general3A_73 = tpu.matmul %concatenate3A_71, %get3A_24, %dot_general3A_72 {dimension_numbers = #tpu.dot_dimension_numbers<[1], [1], [0], [0], [0, 0, 1, 0], [], []>, transpose_lhs_hint = false} : vector<256x128xf32>, vector<2048x128xf32>, vector<256x2048xf32> -> vector<256x2048xf32>
    %max3A_74 = arith.constant 0.000000e+00 : f32
    %max3A_75 = vector.broadcast %max3A_74 : f32 to vector<256x2048xf32>
    %max3A_76 = arith.maximumf %dot_general3A_73, %max3A_75 : vector<256x2048xf32>
    %slice3A_77 = vector.extract_strided_slice %mul3A_15 {offsets = [0, 2], sizes = [256, 1], strides = [1, 1]} : vector<256x16xf32> to vector<256x1xf32>
    %mul3A_78 = vector.broadcast %slice3A_77 : vector<256x1xf32> to vector<256x2048xf32>
    %mul3A_79 = arith.mulf %max3A_76, %mul3A_78 : vector<256x2048xf32>
    %add3A_80 = arith.addf %add3A_60, %mul3A_79 : vector<256x2048xf32>
    %slice3A_81 = vector.extract_strided_slice %dot_general3A_5 {offsets = [0, 384], sizes = [256, 128], strides = [1, 1]} : vector<256x2048xf32> to vector<256x128xf32>
    %slice3A_82 = vector.extract_strided_slice %slice3A_81 {offsets = [0, 0], sizes = [256, 32], strides = [1, 1]} : vector<256x128xf32> to vector<256x32xf32>
    %slice3A_83 = vector.extract_strided_slice %slice3A_81 {offsets = [0, 32], sizes = [256, 32], strides = [1, 1]} : vector<256x128xf32> to vector<256x32xf32>
    %slice3A_84 = vector.extract_strided_slice %slice3A_81 {offsets = [0, 64], sizes = [256, 64], strides = [1, 1]} : vector<256x128xf32> to vector<256x64xf32>
    %mul3A_85 = arith.mulf %slice3A_82, %get3A_18 : vector<256x32xf32>
    %mul3A_86 = arith.mulf %slice3A_83, %get3A_21 : vector<256x32xf32>
    %sub3A_87 = arith.subf %mul3A_85, %mul3A_86 : vector<256x32xf32>
    %mul3A_88 = arith.mulf %slice3A_83, %get3A_18 : vector<256x32xf32>
    %mul3A_89 = arith.mulf %slice3A_82, %get3A_21 : vector<256x32xf32>
    %add3A_90 = arith.addf %mul3A_88, %mul3A_89 : vector<256x32xf32>
    %concatenate3A_91 = tpu.concatenate %sub3A_87, %add3A_90, %slice3A_84 in 1 : vector<256x32xf32>, vector<256x32xf32>, vector<256x64xf32> -> vector<256x128xf32>
    %dot_general3A_92 = arith.constant dense<0.000000e+00> : vector<256x2048xf32>
    %dot_general3A_93 = tpu.matmul %concatenate3A_91, %get3A_24, %dot_general3A_92 {dimension_numbers = #tpu.dot_dimension_numbers<[1], [1], [0], [0], [0, 0, 1, 0], [], []>, transpose_lhs_hint = false} : vector<256x128xf32>, vector<2048x128xf32>, vector<256x2048xf32> -> vector<256x2048xf32>
    %max3A_94 = arith.constant 0.000000e+00 : f32
    %max3A_95 = vector.broadcast %max3A_94 : f32 to vector<256x2048xf32>
    %max3A_96 = arith.maximumf %dot_general3A_93, %max3A_95 : vector<256x2048xf32>
    %slice3A_97 = vector.extract_strided_slice %mul3A_15 {offsets = [0, 3], sizes = [256, 1], strides = [1, 1]} : vector<256x16xf32> to vector<256x1xf32>
    %mul3A_98 = vector.broadcast %slice3A_97 : vector<256x1xf32> to vector<256x2048xf32>
    %mul3A_99 = arith.mulf %max3A_96, %mul3A_98 : vector<256x2048xf32>
    %add3A_100 = arith.addf %add3A_80, %mul3A_99 : vector<256x2048xf32>
    %slice3A_101 = vector.extract_strided_slice %dot_general3A_5 {offsets = [0, 512], sizes = [256, 128], strides = [1, 1]} : vector<256x2048xf32> to vector<256x128xf32>
    %slice3A_102 = vector.extract_strided_slice %slice3A_101 {offsets = [0, 0], sizes = [256, 32], strides = [1, 1]} : vector<256x128xf32> to vector<256x32xf32>
    %slice3A_103 = vector.extract_strided_slice %slice3A_101 {offsets = [0, 32], sizes = [256, 32], strides = [1, 1]} : vector<256x128xf32> to vector<256x32xf32>
    %slice3A_104 = vector.extract_strided_slice %slice3A_101 {offsets = [0, 64], sizes = [256, 64], strides = [1, 1]} : vector<256x128xf32> to vector<256x64xf32>
    %mul3A_105 = arith.mulf %slice3A_102, %get3A_18 : vector<256x32xf32>
    %mul3A_106 = arith.mulf %slice3A_103, %get3A_21 : vector<256x32xf32>
    %sub3A_107 = arith.subf %mul3A_105, %mul3A_106 : vector<256x32xf32>
    %mul3A_108 = arith.mulf %slice3A_103, %get3A_18 : vector<256x32xf32>
    %mul3A_109 = arith.mulf %slice3A_102, %get3A_21 : vector<256x32xf32>
    %add3A_110 = arith.addf %mul3A_108, %mul3A_109 : vector<256x32xf32>
    %concatenate3A_111 = tpu.concatenate %sub3A_107, %add3A_110, %slice3A_104 in 1 : vector<256x32xf32>, vector<256x32xf32>, vector<256x64xf32> -> vector<256x128xf32>
    %dot_general3A_112 = arith.constant dense<0.000000e+00> : vector<256x2048xf32>
    %dot_general3A_113 = tpu.matmul %concatenate3A_111, %get3A_24, %dot_general3A_112 {dimension_numbers = #tpu.dot_dimension_numbers<[1], [1], [0], [0], [0, 0, 1, 0], [], []>, transpose_lhs_hint = false} : vector<256x128xf32>, vector<2048x128xf32>, vector<256x2048xf32> -> vector<256x2048xf32>
    %max3A_114 = arith.constant 0.000000e+00 : f32
    %max3A_115 = vector.broadcast %max3A_114 : f32 to vector<256x2048xf32>
    %max3A_116 = arith.maximumf %dot_general3A_113, %max3A_115 : vector<256x2048xf32>
    %slice3A_117 = vector.extract_strided_slice %mul3A_15 {offsets = [0, 4], sizes = [256, 1], strides = [1, 1]} : vector<256x16xf32> to vector<256x1xf32>
    %mul3A_118 = vector.broadcast %slice3A_117 : vector<256x1xf32> to vector<256x2048xf32>
    %mul3A_119 = arith.mulf %max3A_116, %mul3A_118 : vector<256x2048xf32>
    %add3A_120 = arith.addf %add3A_100, %mul3A_119 : vector<256x2048xf32>
    %slice3A_121 = vector.extract_strided_slice %dot_general3A_5 {offsets = [0, 640], sizes = [256, 128], strides = [1, 1]} : vector<256x2048xf32> to vector<256x128xf32>
    %slice3A_122 = vector.extract_strided_slice %slice3A_121 {offsets = [0, 0], sizes = [256, 32], strides = [1, 1]} : vector<256x128xf32> to vector<256x32xf32>
    %slice3A_123 = vector.extract_strided_slice %slice3A_121 {offsets = [0, 32], sizes = [256, 32], strides = [1, 1]} : vector<256x128xf32> to vector<256x32xf32>
    %slice3A_124 = vector.extract_strided_slice %slice3A_121 {offsets = [0, 64], sizes = [256, 64], strides = [1, 1]} : vector<256x128xf32> to vector<256x64xf32>
    %mul3A_125 = arith.mulf %slice3A_122, %get3A_18 : vector<256x32xf32>
    %mul3A_126 = arith.mulf %slice3A_123, %get3A_21 : vector<256x32xf32>
    %sub3A_127 = arith.subf %mul3A_125, %mul3A_126 : vector<256x32xf32>
    %mul3A_128 = arith.mulf %slice3A_123, %get3A_18 : vector<256x32xf32>
    %mul3A_129 = arith.mulf %slice3A_122, %get3A_21 : vector<256x32xf32>
    %add3A_130 = arith.addf %mul3A_128, %mul3A_129 : vector<256x32xf32>
    %concatenate3A_131 = tpu.concatenate %sub3A_127, %add3A_130, %slice3A_124 in 1 : vector<256x32xf32>, vector<256x32xf32>, vector<256x64xf32> -> vector<256x128xf32>
    %dot_general3A_132 = arith.constant dense<0.000000e+00> : vector<256x2048xf32>
    %dot_general3A_133 = tpu.matmul %concatenate3A_131, %get3A_24, %dot_general3A_132 {dimension_numbers = #tpu.dot_dimension_numbers<[1], [1], [0], [0], [0, 0, 1, 0], [], []>, transpose_lhs_hint = false} : vector<256x128xf32>, vector<2048x128xf32>, vector<256x2048xf32> -> vector<256x2048xf32>
    %max3A_134 = arith.constant 0.000000e+00 : f32
    %max3A_135 = vector.broadcast %max3A_134 : f32 to vector<256x2048xf32>
    %max3A_136 = arith.maximumf %dot_general3A_133, %max3A_135 : vector<256x2048xf32>
    %slice3A_137 = vector.extract_strided_slice %mul3A_15 {offsets = [0, 5], sizes = [256, 1], strides = [1, 1]} : vector<256x16xf32> to vector<256x1xf32>
    %mul3A_138 = vector.broadcast %slice3A_137 : vector<256x1xf32> to vector<256x2048xf32>
    %mul3A_139 = arith.mulf %max3A_136, %mul3A_138 : vector<256x2048xf32>
    %add3A_140 = arith.addf %add3A_120, %mul3A_139 : vector<256x2048xf32>
    %slice3A_141 = vector.extract_strided_slice %dot_general3A_5 {offsets = [0, 768], sizes = [256, 128], strides = [1, 1]} : vector<256x2048xf32> to vector<256x128xf32>
    %slice3A_142 = vector.extract_strided_slice %slice3A_141 {offsets = [0, 0], sizes = [256, 32], strides = [1, 1]} : vector<256x128xf32> to vector<256x32xf32>
    %slice3A_143 = vector.extract_strided_slice %slice3A_141 {offsets = [0, 32], sizes = [256, 32], strides = [1, 1]} : vector<256x128xf32> to vector<256x32xf32>
    %slice3A_144 = vector.extract_strided_slice %slice3A_141 {offsets = [0, 64], sizes = [256, 64], strides = [1, 1]} : vector<256x128xf32> to vector<256x64xf32>
    %mul3A_145 = arith.mulf %slice3A_142, %get3A_18 : vector<256x32xf32>
    %mul3A_146 = arith.mulf %slice3A_143, %get3A_21 : vector<256x32xf32>
    %sub3A_147 = arith.subf %mul3A_145, %mul3A_146 : vector<256x32xf32>
    %mul3A_148 = arith.mulf %slice3A_143, %get3A_18 : vector<256x32xf32>
    %mul3A_149 = arith.mulf %slice3A_142, %get3A_21 : vector<256x32xf32>
    %add3A_150 = arith.addf %mul3A_148, %mul3A_149 : vector<256x32xf32>
    %concatenate3A_151 = tpu.concatenate %sub3A_147, %add3A_150, %slice3A_144 in 1 : vector<256x32xf32>, vector<256x32xf32>, vector<256x64xf32> -> vector<256x128xf32>
    %dot_general3A_152 = arith.constant dense<0.000000e+00> : vector<256x2048xf32>
    %dot_general3A_153 = tpu.matmul %concatenate3A_151, %get3A_24, %dot_general3A_152 {dimension_numbers = #tpu.dot_dimension_numbers<[1], [1], [0], [0], [0, 0, 1, 0], [], []>, transpose_lhs_hint = false} : vector<256x128xf32>, vector<2048x128xf32>, vector<256x2048xf32> -> vector<256x2048xf32>
    %max3A_154 = arith.constant 0.000000e+00 : f32
    %max3A_155 = vector.broadcast %max3A_154 : f32 to vector<256x2048xf32>
    %max3A_156 = arith.maximumf %dot_general3A_153, %max3A_155 : vector<256x2048xf32>
    %slice3A_157 = vector.extract_strided_slice %mul3A_15 {offsets = [0, 6], sizes = [256, 1], strides = [1, 1]} : vector<256x16xf32> to vector<256x1xf32>
    %mul3A_158 = vector.broadcast %slice3A_157 : vector<256x1xf32> to vector<256x2048xf32>
    %mul3A_159 = arith.mulf %max3A_156, %mul3A_158 : vector<256x2048xf32>
    %add3A_160 = arith.addf %add3A_140, %mul3A_159 : vector<256x2048xf32>
    %slice3A_161 = vector.extract_strided_slice %dot_general3A_5 {offsets = [0, 896], sizes = [256, 128], strides = [1, 1]} : vector<256x2048xf32> to vector<256x128xf32>
    %slice3A_162 = vector.extract_strided_slice %slice3A_161 {offsets = [0, 0], sizes = [256, 32], strides = [1, 1]} : vector<256x128xf32> to vector<256x32xf32>
    %slice3A_163 = vector.extract_strided_slice %slice3A_161 {offsets = [0, 32], sizes = [256, 32], strides = [1, 1]} : vector<256x128xf32> to vector<256x32xf32>
    %slice3A_164 = vector.extract_strided_slice %slice3A_161 {offsets = [0, 64], sizes = [256, 64], strides = [1, 1]} : vector<256x128xf32> to vector<256x64xf32>
    %mul3A_165 = arith.mulf %slice3A_162, %get3A_18 : vector<256x32xf32>
    %mul3A_166 = arith.mulf %slice3A_163, %get3A_21 : vector<256x32xf32>
    %sub3A_167 = arith.subf %mul3A_165, %mul3A_166 : vector<256x32xf32>
    %mul3A_168 = arith.mulf %slice3A_163, %get3A_18 : vector<256x32xf32>
    %mul3A_169 = arith.mulf %slice3A_162, %get3A_21 : vector<256x32xf32>
    %add3A_170 = arith.addf %mul3A_168, %mul3A_169 : vector<256x32xf32>
    %concatenate3A_171 = tpu.concatenate %sub3A_167, %add3A_170, %slice3A_164 in 1 : vector<256x32xf32>, vector<256x32xf32>, vector<256x64xf32> -> vector<256x128xf32>
    %dot_general3A_172 = arith.constant dense<0.000000e+00> : vector<256x2048xf32>
    %dot_general3A_173 = tpu.matmul %concatenate3A_171, %get3A_24, %dot_general3A_172 {dimension_numbers = #tpu.dot_dimension_numbers<[1], [1], [0], [0], [0, 0, 1, 0], [], []>, transpose_lhs_hint = false} : vector<256x128xf32>, vector<2048x128xf32>, vector<256x2048xf32> -> vector<256x2048xf32>
    %max3A_174 = arith.constant 0.000000e+00 : f32
    %max3A_175 = vector.broadcast %max3A_174 : f32 to vector<256x2048xf32>
    %max3A_176 = arith.maximumf %dot_general3A_173, %max3A_175 : vector<256x2048xf32>
    %slice3A_177 = vector.extract_strided_slice %mul3A_15 {offsets = [0, 7], sizes = [256, 1], strides = [1, 1]} : vector<256x16xf32> to vector<256x1xf32>
    %mul3A_178 = vector.broadcast %slice3A_177 : vector<256x1xf32> to vector<256x2048xf32>
    %mul3A_179 = arith.mulf %max3A_176, %mul3A_178 : vector<256x2048xf32>
    %add3A_180 = arith.addf %add3A_160, %mul3A_179 : vector<256x2048xf32>
    %slice3A_181 = vector.extract_strided_slice %dot_general3A_5 {offsets = [0, 1024], sizes = [256, 128], strides = [1, 1]} : vector<256x2048xf32> to vector<256x128xf32>
    %slice3A_182 = vector.extract_strided_slice %slice3A_181 {offsets = [0, 0], sizes = [256, 32], strides = [1, 1]} : vector<256x128xf32> to vector<256x32xf32>
    %slice3A_183 = vector.extract_strided_slice %slice3A_181 {offsets = [0, 32], sizes = [256, 32], strides = [1, 1]} : vector<256x128xf32> to vector<256x32xf32>
    %slice3A_184 = vector.extract_strided_slice %slice3A_181 {offsets = [0, 64], sizes = [256, 64], strides = [1, 1]} : vector<256x128xf32> to vector<256x64xf32>
    %mul3A_185 = arith.mulf %slice3A_182, %get3A_18 : vector<256x32xf32>
    %mul3A_186 = arith.mulf %slice3A_183, %get3A_21 : vector<256x32xf32>
    %sub3A_187 = arith.subf %mul3A_185, %mul3A_186 : vector<256x32xf32>
    %mul3A_188 = arith.mulf %slice3A_183, %get3A_18 : vector<256x32xf32>
    %mul3A_189 = arith.mulf %slice3A_182, %get3A_21 : vector<256x32xf32>
    %add3A_190 = arith.addf %mul3A_188, %mul3A_189 : vector<256x32xf32>
    %concatenate3A_191 = tpu.concatenate %sub3A_187, %add3A_190, %slice3A_184 in 1 : vector<256x32xf32>, vector<256x32xf32>, vector<256x64xf32> -> vector<256x128xf32>
    %dot_general3A_192 = arith.constant dense<0.000000e+00> : vector<256x2048xf32>
    %dot_general3A_193 = tpu.matmul %concatenate3A_191, %get3A_24, %dot_general3A_192 {dimension_numbers = #tpu.dot_dimension_numbers<[1], [1], [0], [0], [0, 0, 1, 0], [], []>, transpose_lhs_hint = false} : vector<256x128xf32>, vector<2048x128xf32>, vector<256x2048xf32> -> vector<256x2048xf32>
    %max3A_194 = arith.constant 0.000000e+00 : f32
    %max3A_195 = vector.broadcast %max3A_194 : f32 to vector<256x2048xf32>
    %max3A_196 = arith.maximumf %dot_general3A_193, %max3A_195 : vector<256x2048xf32>
    %slice3A_197 = vector.extract_strided_slice %mul3A_15 {offsets = [0, 8], sizes = [256, 1], strides = [1, 1]} : vector<256x16xf32> to vector<256x1xf32>
    %mul3A_198 = vector.broadcast %slice3A_197 : vector<256x1xf32> to vector<256x2048xf32>
    %mul3A_199 = arith.mulf %max3A_196, %mul3A_198 : vector<256x2048xf32>
    %add3A_200 = arith.addf %add3A_180, %mul3A_199 : vector<256x2048xf32>
    %slice3A_201 = vector.extract_strided_slice %dot_general3A_5 {offsets = [0, 1152], sizes = [256, 128], strides = [1, 1]} : vector<256x2048xf32> to vector<256x128xf32>
    %slice3A_202 = vector.extract_strided_slice %slice3A_201 {offsets = [0, 0], sizes = [256, 32], strides = [1, 1]} : vector<256x128xf32> to vector<256x32xf32>
    %slice3A_203 = vector.extract_strided_slice %slice3A_201 {offsets = [0, 32], sizes = [256, 32], strides = [1, 1]} : vector<256x128xf32> to vector<256x32xf32>
    %slice3A_204 = vector.extract_strided_slice %slice3A_201 {offsets = [0, 64], sizes = [256, 64], strides = [1, 1]} : vector<256x128xf32> to vector<256x64xf32>
    %mul3A_205 = arith.mulf %slice3A_202, %get3A_18 : vector<256x32xf32>
    %mul3A_206 = arith.mulf %slice3A_203, %get3A_21 : vector<256x32xf32>
    %sub3A_207 = arith.subf %mul3A_205, %mul3A_206 : vector<256x32xf32>
    %mul3A_208 = arith.mulf %slice3A_203, %get3A_18 : vector<256x32xf32>
    %mul3A_209 = arith.mulf %slice3A_202, %get3A_21 : vector<256x32xf32>
    %add3A_210 = arith.addf %mul3A_208, %mul3A_209 : vector<256x32xf32>
    %concatenate3A_211 = tpu.concatenate %sub3A_207, %add3A_210, %slice3A_204 in 1 : vector<256x32xf32>, vector<256x32xf32>, vector<256x64xf32> -> vector<256x128xf32>
    %dot_general3A_212 = arith.constant dense<0.000000e+00> : vector<256x2048xf32>
    %dot_general3A_213 = tpu.matmul %concatenate3A_211, %get3A_24, %dot_general3A_212 {dimension_numbers = #tpu.dot_dimension_numbers<[1], [1], [0], [0], [0, 0, 1, 0], [], []>, transpose_lhs_hint = false} : vector<256x128xf32>, vector<2048x128xf32>, vector<256x2048xf32> -> vector<256x2048xf32>
    %max3A_214 = arith.constant 0.000000e+00 : f32
    %max3A_215 = vector.broadcast %max3A_214 : f32 to vector<256x2048xf32>
    %max3A_216 = arith.maximumf %dot_general3A_213, %max3A_215 : vector<256x2048xf32>
    %slice3A_217 = vector.extract_strided_slice %mul3A_15 {offsets = [0, 9], sizes = [256, 1], strides = [1, 1]} : vector<256x16xf32> to vector<256x1xf32>
    %mul3A_218 = vector.broadcast %slice3A_217 : vector<256x1xf32> to vector<256x2048xf32>
    %mul3A_219 = arith.mulf %max3A_216, %mul3A_218 : vector<256x2048xf32>
    %add3A_220 = arith.addf %add3A_200, %mul3A_219 : vector<256x2048xf32>
    %slice3A_221 = vector.extract_strided_slice %dot_general3A_5 {offsets = [0, 1280], sizes = [256, 128], strides = [1, 1]} : vector<256x2048xf32> to vector<256x128xf32>
    %slice3A_222 = vector.extract_strided_slice %slice3A_221 {offsets = [0, 0], sizes = [256, 32], strides = [1, 1]} : vector<256x128xf32> to vector<256x32xf32>
    %slice3A_223 = vector.extract_strided_slice %slice3A_221 {offsets = [0, 32], sizes = [256, 32], strides = [1, 1]} : vector<256x128xf32> to vector<256x32xf32>
    %slice3A_224 = vector.extract_strided_slice %slice3A_221 {offsets = [0, 64], sizes = [256, 64], strides = [1, 1]} : vector<256x128xf32> to vector<256x64xf32>
    %mul3A_225 = arith.mulf %slice3A_222, %get3A_18 : vector<256x32xf32>
    %mul3A_226 = arith.mulf %slice3A_223, %get3A_21 : vector<256x32xf32>
    %sub3A_227 = arith.subf %mul3A_225, %mul3A_226 : vector<256x32xf32>
    %mul3A_228 = arith.mulf %slice3A_223, %get3A_18 : vector<256x32xf32>
    %mul3A_229 = arith.mulf %slice3A_222, %get3A_21 : vector<256x32xf32>
    %add3A_230 = arith.addf %mul3A_228, %mul3A_229 : vector<256x32xf32>
    %concatenate3A_231 = tpu.concatenate %sub3A_227, %add3A_230, %slice3A_224 in 1 : vector<256x32xf32>, vector<256x32xf32>, vector<256x64xf32> -> vector<256x128xf32>
    %dot_general3A_232 = arith.constant dense<0.000000e+00> : vector<256x2048xf32>
    %dot_general3A_233 = tpu.matmul %concatenate3A_231, %get3A_24, %dot_general3A_232 {dimension_numbers = #tpu.dot_dimension_numbers<[1], [1], [0], [0], [0, 0, 1, 0], [], []>, transpose_lhs_hint = false} : vector<256x128xf32>, vector<2048x128xf32>, vector<256x2048xf32> -> vector<256x2048xf32>
    %max3A_234 = arith.constant 0.000000e+00 : f32
    %max3A_235 = vector.broadcast %max3A_234 : f32 to vector<256x2048xf32>
    %max3A_236 = arith.maximumf %dot_general3A_233, %max3A_235 : vector<256x2048xf32>
    %slice3A_237 = vector.extract_strided_slice %mul3A_15 {offsets = [0, 10], sizes = [256, 1], strides = [1, 1]} : vector<256x16xf32> to vector<256x1xf32>
    %mul3A_238 = vector.broadcast %slice3A_237 : vector<256x1xf32> to vector<256x2048xf32>
    %mul3A_239 = arith.mulf %max3A_236, %mul3A_238 : vector<256x2048xf32>
    %add3A_240 = arith.addf %add3A_220, %mul3A_239 : vector<256x2048xf32>
    %slice3A_241 = vector.extract_strided_slice %dot_general3A_5 {offsets = [0, 1408], sizes = [256, 128], strides = [1, 1]} : vector<256x2048xf32> to vector<256x128xf32>
    %slice3A_242 = vector.extract_strided_slice %slice3A_241 {offsets = [0, 0], sizes = [256, 32], strides = [1, 1]} : vector<256x128xf32> to vector<256x32xf32>
    %slice3A_243 = vector.extract_strided_slice %slice3A_241 {offsets = [0, 32], sizes = [256, 32], strides = [1, 1]} : vector<256x128xf32> to vector<256x32xf32>
    %slice3A_244 = vector.extract_strided_slice %slice3A_241 {offsets = [0, 64], sizes = [256, 64], strides = [1, 1]} : vector<256x128xf32> to vector<256x64xf32>
    %mul3A_245 = arith.mulf %slice3A_242, %get3A_18 : vector<256x32xf32>
    %mul3A_246 = arith.mulf %slice3A_243, %get3A_21 : vector<256x32xf32>
    %sub3A_247 = arith.subf %mul3A_245, %mul3A_246 : vector<256x32xf32>
    %mul3A_248 = arith.mulf %slice3A_243, %get3A_18 : vector<256x32xf32>
    %mul3A_249 = arith.mulf %slice3A_242, %get3A_21 : vector<256x32xf32>
    %add3A_250 = arith.addf %mul3A_248, %mul3A_249 : vector<256x32xf32>
    %concatenate3A_251 = tpu.concatenate %sub3A_247, %add3A_250, %slice3A_244 in 1 : vector<256x32xf32>, vector<256x32xf32>, vector<256x64xf32> -> vector<256x128xf32>
    %dot_general3A_252 = arith.constant dense<0.000000e+00> : vector<256x2048xf32>
    %dot_general3A_253 = tpu.matmul %concatenate3A_251, %get3A_24, %dot_general3A_252 {dimension_numbers = #tpu.dot_dimension_numbers<[1], [1], [0], [0], [0, 0, 1, 0], [], []>, transpose_lhs_hint = false} : vector<256x128xf32>, vector<2048x128xf32>, vector<256x2048xf32> -> vector<256x2048xf32>
    %max3A_254 = arith.constant 0.000000e+00 : f32
    %max3A_255 = vector.broadcast %max3A_254 : f32 to vector<256x2048xf32>
    %max3A_256 = arith.maximumf %dot_general3A_253, %max3A_255 : vector<256x2048xf32>
    %slice3A_257 = vector.extract_strided_slice %mul3A_15 {offsets = [0, 11], sizes = [256, 1], strides = [1, 1]} : vector<256x16xf32> to vector<256x1xf32>
    %mul3A_258 = vector.broadcast %slice3A_257 : vector<256x1xf32> to vector<256x2048xf32>
    %mul3A_259 = arith.mulf %max3A_256, %mul3A_258 : vector<256x2048xf32>
    %add3A_260 = arith.addf %add3A_240, %mul3A_259 : vector<256x2048xf32>
    %slice3A_261 = vector.extract_strided_slice %dot_general3A_5 {offsets = [0, 1536], sizes = [256, 128], strides = [1, 1]} : vector<256x2048xf32> to vector<256x128xf32>
    %slice3A_262 = vector.extract_strided_slice %slice3A_261 {offsets = [0, 0], sizes = [256, 32], strides = [1, 1]} : vector<256x128xf32> to vector<256x32xf32>
    %slice3A_263 = vector.extract_strided_slice %slice3A_261 {offsets = [0, 32], sizes = [256, 32], strides = [1, 1]} : vector<256x128xf32> to vector<256x32xf32>
    %slice3A_264 = vector.extract_strided_slice %slice3A_261 {offsets = [0, 64], sizes = [256, 64], strides = [1, 1]} : vector<256x128xf32> to vector<256x64xf32>
    %mul3A_265 = arith.mulf %slice3A_262, %get3A_18 : vector<256x32xf32>
    %mul3A_266 = arith.mulf %slice3A_263, %get3A_21 : vector<256x32xf32>
    %sub3A_267 = arith.subf %mul3A_265, %mul3A_266 : vector<256x32xf32>
    %mul3A_268 = arith.mulf %slice3A_263, %get3A_18 : vector<256x32xf32>
    %mul3A_269 = arith.mulf %slice3A_262, %get3A_21 : vector<256x32xf32>
    %add3A_270 = arith.addf %mul3A_268, %mul3A_269 : vector<256x32xf32>
    %concatenate3A_271 = tpu.concatenate %sub3A_267, %add3A_270, %slice3A_264 in 1 : vector<256x32xf32>, vector<256x32xf32>, vector<256x64xf32> -> vector<256x128xf32>
    %dot_general3A_272 = arith.constant dense<0.000000e+00> : vector<256x2048xf32>
    %dot_general3A_273 = tpu.matmul %concatenate3A_271, %get3A_24, %dot_general3A_272 {dimension_numbers = #tpu.dot_dimension_numbers<[1], [1], [0], [0], [0, 0, 1, 0], [], []>, transpose_lhs_hint = false} : vector<256x128xf32>, vector<2048x128xf32>, vector<256x2048xf32> -> vector<256x2048xf32>
    %max3A_274 = arith.constant 0.000000e+00 : f32
    %max3A_275 = vector.broadcast %max3A_274 : f32 to vector<256x2048xf32>
    %max3A_276 = arith.maximumf %dot_general3A_273, %max3A_275 : vector<256x2048xf32>
    %slice3A_277 = vector.extract_strided_slice %mul3A_15 {offsets = [0, 12], sizes = [256, 1], strides = [1, 1]} : vector<256x16xf32> to vector<256x1xf32>
    %mul3A_278 = vector.broadcast %slice3A_277 : vector<256x1xf32> to vector<256x2048xf32>
    %mul3A_279 = arith.mulf %max3A_276, %mul3A_278 : vector<256x2048xf32>
    %add3A_280 = arith.addf %add3A_260, %mul3A_279 : vector<256x2048xf32>
    %slice3A_281 = vector.extract_strided_slice %dot_general3A_5 {offsets = [0, 1664], sizes = [256, 128], strides = [1, 1]} : vector<256x2048xf32> to vector<256x128xf32>
    %slice3A_282 = vector.extract_strided_slice %slice3A_281 {offsets = [0, 0], sizes = [256, 32], strides = [1, 1]} : vector<256x128xf32> to vector<256x32xf32>
    %slice3A_283 = vector.extract_strided_slice %slice3A_281 {offsets = [0, 32], sizes = [256, 32], strides = [1, 1]} : vector<256x128xf32> to vector<256x32xf32>
    %slice3A_284 = vector.extract_strided_slice %slice3A_281 {offsets = [0, 64], sizes = [256, 64], strides = [1, 1]} : vector<256x128xf32> to vector<256x64xf32>
    %mul3A_285 = arith.mulf %slice3A_282, %get3A_18 : vector<256x32xf32>
    %mul3A_286 = arith.mulf %slice3A_283, %get3A_21 : vector<256x32xf32>
    %sub3A_287 = arith.subf %mul3A_285, %mul3A_286 : vector<256x32xf32>
    %mul3A_288 = arith.mulf %slice3A_283, %get3A_18 : vector<256x32xf32>
    %mul3A_289 = arith.mulf %slice3A_282, %get3A_21 : vector<256x32xf32>
    %add3A_290 = arith.addf %mul3A_288, %mul3A_289 : vector<256x32xf32>
    %concatenate3A_291 = tpu.concatenate %sub3A_287, %add3A_290, %slice3A_284 in 1 : vector<256x32xf32>, vector<256x32xf32>, vector<256x64xf32> -> vector<256x128xf32>
    %dot_general3A_292 = arith.constant dense<0.000000e+00> : vector<256x2048xf32>
    %dot_general3A_293 = tpu.matmul %concatenate3A_291, %get3A_24, %dot_general3A_292 {dimension_numbers = #tpu.dot_dimension_numbers<[1], [1], [0], [0], [0, 0, 1, 0], [], []>, transpose_lhs_hint = false} : vector<256x128xf32>, vector<2048x128xf32>, vector<256x2048xf32> -> vector<256x2048xf32>
    %max3A_294 = arith.constant 0.000000e+00 : f32
    %max3A_295 = vector.broadcast %max3A_294 : f32 to vector<256x2048xf32>
    %max3A_296 = arith.maximumf %dot_general3A_293, %max3A_295 : vector<256x2048xf32>
    %slice3A_297 = vector.extract_strided_slice %mul3A_15 {offsets = [0, 13], sizes = [256, 1], strides = [1, 1]} : vector<256x16xf32> to vector<256x1xf32>
    %mul3A_298 = vector.broadcast %slice3A_297 : vector<256x1xf32> to vector<256x2048xf32>
    %mul3A_299 = arith.mulf %max3A_296, %mul3A_298 : vector<256x2048xf32>
    %add3A_300 = arith.addf %add3A_280, %mul3A_299 : vector<256x2048xf32>
    %slice3A_301 = vector.extract_strided_slice %dot_general3A_5 {offsets = [0, 1792], sizes = [256, 128], strides = [1, 1]} : vector<256x2048xf32> to vector<256x128xf32>
    %slice3A_302 = vector.extract_strided_slice %slice3A_301 {offsets = [0, 0], sizes = [256, 32], strides = [1, 1]} : vector<256x128xf32> to vector<256x32xf32>
    %slice3A_303 = vector.extract_strided_slice %slice3A_301 {offsets = [0, 32], sizes = [256, 32], strides = [1, 1]} : vector<256x128xf32> to vector<256x32xf32>
    %slice3A_304 = vector.extract_strided_slice %slice3A_301 {offsets = [0, 64], sizes = [256, 64], strides = [1, 1]} : vector<256x128xf32> to vector<256x64xf32>
    %mul3A_305 = arith.mulf %slice3A_302, %get3A_18 : vector<256x32xf32>
    %mul3A_306 = arith.mulf %slice3A_303, %get3A_21 : vector<256x32xf32>
    %sub3A_307 = arith.subf %mul3A_305, %mul3A_306 : vector<256x32xf32>
    %mul3A_308 = arith.mulf %slice3A_303, %get3A_18 : vector<256x32xf32>
    %mul3A_309 = arith.mulf %slice3A_302, %get3A_21 : vector<256x32xf32>
    %add3A_310 = arith.addf %mul3A_308, %mul3A_309 : vector<256x32xf32>
    %concatenate3A_311 = tpu.concatenate %sub3A_307, %add3A_310, %slice3A_304 in 1 : vector<256x32xf32>, vector<256x32xf32>, vector<256x64xf32> -> vector<256x128xf32>
    %dot_general3A_312 = arith.constant dense<0.000000e+00> : vector<256x2048xf32>
    %dot_general3A_313 = tpu.matmul %concatenate3A_311, %get3A_24, %dot_general3A_312 {dimension_numbers = #tpu.dot_dimension_numbers<[1], [1], [0], [0], [0, 0, 1, 0], [], []>, transpose_lhs_hint = false} : vector<256x128xf32>, vector<2048x128xf32>, vector<256x2048xf32> -> vector<256x2048xf32>
    %max3A_314 = arith.constant 0.000000e+00 : f32
    %max3A_315 = vector.broadcast %max3A_314 : f32 to vector<256x2048xf32>
    %max3A_316 = arith.maximumf %dot_general3A_313, %max3A_315 : vector<256x2048xf32>
    %slice3A_317 = vector.extract_strided_slice %mul3A_15 {offsets = [0, 14], sizes = [256, 1], strides = [1, 1]} : vector<256x16xf32> to vector<256x1xf32>
    %mul3A_318 = vector.broadcast %slice3A_317 : vector<256x1xf32> to vector<256x2048xf32>
    %mul3A_319 = arith.mulf %max3A_316, %mul3A_318 : vector<256x2048xf32>
    %add3A_320 = arith.addf %add3A_300, %mul3A_319 : vector<256x2048xf32>
    %slice3A_321 = vector.extract_strided_slice %dot_general3A_5 {offsets = [0, 1920], sizes = [256, 128], strides = [1, 1]} : vector<256x2048xf32> to vector<256x128xf32>
    %slice3A_322 = vector.extract_strided_slice %slice3A_321 {offsets = [0, 0], sizes = [256, 32], strides = [1, 1]} : vector<256x128xf32> to vector<256x32xf32>
    %slice3A_323 = vector.extract_strided_slice %slice3A_321 {offsets = [0, 32], sizes = [256, 32], strides = [1, 1]} : vector<256x128xf32> to vector<256x32xf32>
    %slice3A_324 = vector.extract_strided_slice %slice3A_321 {offsets = [0, 64], sizes = [256, 64], strides = [1, 1]} : vector<256x128xf32> to vector<256x64xf32>
    %mul3A_325 = arith.mulf %slice3A_322, %get3A_18 : vector<256x32xf32>
    %mul3A_326 = arith.mulf %slice3A_323, %get3A_21 : vector<256x32xf32>
    %sub3A_327 = arith.subf %mul3A_325, %mul3A_326 : vector<256x32xf32>
    %mul3A_328 = arith.mulf %slice3A_323, %get3A_18 : vector<256x32xf32>
    %mul3A_329 = arith.mulf %slice3A_322, %get3A_21 : vector<256x32xf32>
    %add3A_330 = arith.addf %mul3A_328, %mul3A_329 : vector<256x32xf32>
    %concatenate3A_331 = tpu.concatenate %sub3A_327, %add3A_330, %slice3A_324 in 1 : vector<256x32xf32>, vector<256x32xf32>, vector<256x64xf32> -> vector<256x128xf32>
    %dot_general3A_332 = arith.constant dense<0.000000e+00> : vector<256x2048xf32>
    %dot_general3A_333 = tpu.matmul %concatenate3A_331, %get3A_24, %dot_general3A_332 {dimension_numbers = #tpu.dot_dimension_numbers<[1], [1], [0], [0], [0, 0, 1, 0], [], []>, transpose_lhs_hint = false} : vector<256x128xf32>, vector<2048x128xf32>, vector<256x2048xf32> -> vector<256x2048xf32>
    %max3A_334 = arith.constant 0.000000e+00 : f32
    %max3A_335 = vector.broadcast %max3A_334 : f32 to vector<256x2048xf32>
    %max3A_336 = arith.maximumf %dot_general3A_333, %max3A_335 : vector<256x2048xf32>
    %slice3A_337 = vector.extract_strided_slice %mul3A_15 {offsets = [0, 15], sizes = [256, 1], strides = [1, 1]} : vector<256x16xf32> to vector<256x1xf32>
    %mul3A_338 = vector.broadcast %slice3A_337 : vector<256x1xf32> to vector<256x2048xf32>
    %mul3A_339 = arith.mulf %max3A_336, %mul3A_338 : vector<256x2048xf32>
    %add3A_340 = arith.addf %add3A_320, %mul3A_339 : vector<256x2048xf32>
    %swap3A = arith.constant 0 : index
    %swap3A_341 = arith.constant 0 : index
    %swap3A_342 = vector.load %arg8[%swap3A, %swap3A_341] : memref<256x2048xf32, #tpu.memory_space<vmem>>, vector<256x2048xf32>
    tpu.vector_store %arg8[%swap3A, %swap3A_341], %add3A_340 {strides = array<i32>} : memref<256x2048xf32, #tpu.memory_space<vmem>>, vector<256x2048xf32>,
    return
  }
  func.func @transform_0(%arg0: i32) -> (i32, i32) {
    %c0_i32 = arith.constant 0 : i32
    %c0_i32_0 = arith.constant 0 : i32
    return %arg0, %c0_i32 : i32, i32
  }
  func.func @transform_1(%arg0: i32) -> (i32, i32) {
    %c0_i32 = arith.constant 0 : i32
    %c0_i32_0 = arith.constant 0 : i32
    %c0_i32_1 = arith.constant 0 : i32
    return %c0_i32, %c0_i32_0 : i32, i32
  }
  func.func @transform_2(%arg0: i32) -> (i32, i32) {
    %c0_i32 = arith.constant 0 : i32
    %c0_i32_0 = arith.constant 0 : i32
    return %arg0, %c0_i32 : i32, i32
  }
  func.func @transform_3(%arg0: i32) -> (i32, i32) {
    %c0_i32 = arith.constant 0 : i32
    %c0_i32_0 = arith.constant 0 : i32
    %c0_i32_1 = arith.constant 0 : i32
    return %c0_i32, %c0_i32_0 : i32, i32
  }
  func.func @transform_4(%arg0: i32) -> (i32, i32) {
    %c0_i32 = arith.constant 0 : i32
    %c0_i32_0 = arith.constant 0 : i32
    %c0_i32_1 = arith.constant 0 : i32
    return %c0_i32, %c0_i32_0 : i32, i32
  }
  func.func @transform_5(%arg0: i32) -> (i32, i32) {
    %c0_i32 = arith.constant 0 : i32
    %c0_i32_0 = arith.constant 0 : i32
    return %arg0, %c0_i32 : i32, i32
  }
  func.func @transform_6(%arg0: i32) -> (i32, i32) {
    %c0_i32 = arith.constant 0 : i32
    %c0_i32_0 = arith.constant 0 : i32
    return %arg0, %c0_i32 : i32, i32
  }
  func.func @transform_7(%arg0: i32) -> (i32, i32) {
    %c0_i32 = arith.constant 0 : i32
    %c0_i32_0 = arith.constant 0 : i32
    return %arg0, %c0_i32 : i32, i32
  }
}

</mosaic_0001>

<sc_bundles>
// kernel: kernel.5.cloned.1.call-start
scs
__scs_entry_jumppad:
0x0: {  	(pc) =	sbr.rel $0x88, $3  }
0x1: {  	(tag) =	ssettag $0x0;
	lr =	simm.s32 $0x1  }
0x2: {  	[smem:$0x3F98] =	sst lr;
	_ =	strace $0xD0000000  }
0x3: {  	_ = 	snop  }
0x4: {  	_ = 	snop  }
0x5: {  	_ = 	snop  }
0x6: {  	_ = 	snop  }
0x7: {  	_ = 	snop  }
__scs_overlays_trampoline_lowered:
0x8: {  	[smem:$0x3FA7] =	sst s0  }
0x9: {  	[smem:$0x3FA8] =	sst s1  }
0xa: {  	[smem:$0x3FA9] =	sst s2  }
0xb: {  	[smem:$0x3FAA] =	sst s3  }
0xc: {  	[smem:$0x3FAB] =	sst s4  }
0xd: {  	[smem:$0x3FAC] =	sst s5  }
0xe: {  	[smem:$0x3FAD] =	sst s6  }
0xf: {  	[smem:$0x3FAE] =	sst s7  }
0x10: {  	[smem:$0x3FAF] =	sst s8  }
0x11: {  	[smem:$0x3FB0] =	sst s9;
	s0 =	simm.s32 @!p0 $0x0  }
0x12: {  	s1 =	sld [smem:$0x3F96];
	s0 =	simm.s32 @p0 $0x1  }
0x13: {  	[smem:$0x3FB1] =	sst s0;
	s0 =	simm.s32 @!p1 $0x0  }
0x14: {  	s2 =	sld [smem:$0x3F95];
	s0 =	simm.s32 @p1 $0x1  }
0x15: {  	[smem:$0x3FB2] =	sst s0;
	s0 =	simm.s32 @!p2 $0x0  }
0x16: {  	s3 =	sld [smem:$0x3FDB];
	s0 =	simm.s32 @p2 $0x1  }
0x17: {  	s4 =	simm.s32 $0x1BF5;
	[smem:$0x3FB4] =	sst s0  }
0x18: {  	s0 =	sld [smem:$0x3F97];
	_ =	swait.ge [sflag:s4], $0x0  }
0x19: {  	s7 =	sld [smem:$0x3F98]  }
0x1a: {  	s8 =	sadd.s32 $0xFFFFE003, lr  }
0x1b: {  	s9 =	sadd.s32 $0xFFFFFEF7, lr;
	s5 =	simm.s32 $0xFFFFFFFF;
	p2 =	slt.u32 s8, $0xFFFFF086  }
0x1c: {  	p1 =	slt.u32 s9, $0xF7A;
	s5 =	simm.s32 @!p2 $0x0  }
0x1d: {  	s5 =	simm.s32 @p1 $0x1;
	p0 =	seq.s32 s7, s2  }
0x1e: {  	s7 =	smul.u32 @!p0 $0xF7A, s2;
	p2 =	seq.s32 @!p0 s5, $0x0  }
0x1f: {  	s9 =	smul.u32 $0xF7A, s1;
	s8 =	simm.s32 @!p0 $0x1BF5;
	p2 =	por !p2, p0  }
0x20: {  	[sflag:s8] =	ssyncset.s32 @!p0 $0xFFFFF086;
	s6 =	sadd.s32 @!p0 s3, s7;
	s7 =	simm.s32 @!p0 $0x108  }
0x21: {  	s3 =	sadd.s32 s3, s9;
	s6 =	sadd.s32 @!p0 $0x88, s6;
	s7 =	simm.s32 @p2 $0x1082  }
0x22: {  	[simem:s7], [sflag:s8] =	dma.local @!p0 [hbm:s6], $0xF7A  }
0x23: {  	s9 =	sor.u32 $0xD0000000, s2;
	s6 =	simm.s32 $0x108;
	_ =	swait.ge @!p0 [sflag:s8], $0x0  }
0x24: {  	s3 =	sadd.s32 $0x88, s3;
	s6 =	simm.s32 @!p1 $0x1082;
	[sflag:s4] =	ssyncset.s32 $0xFFFFF086  }
0x25: {  	[simem:s6], [sflag:s4] =	dma.local [hbm:s3], $0xF7A  }
0x26: {  	[smem:$0x3F98] =	sst s1;
	(tag) =	ssettag s2;
	_ =	strace s9  }
0x27: {  	s1 =	sld [smem:$0x3FA8]  }
0x28: {  	s2 =	sld [smem:$0x3FA9]  }
0x29: {  	s4 =	sld [smem:$0x3FAB]  }
0x2a: {  	p0 =	seq.s32 s5, $0x0;
	s5 =	sld [smem:$0x3FAC]  }
0x2b: {  	s6 =	sld [smem:$0x3FAD]  }
0x2c: {  	s7 =	sld [smem:$0x3FAE]  }
0x2d: {  	s3 =	simm.s32 $0x108;
	s8 =	sld [smem:$0x3FAF]  }
0x2e: {  	s3 =	simm.s32 @!p0 $0x1082;
	s9 =	sld [smem:$0x3FB0]  }
0x2f: {  	lr =	sadd.s32 s0, s3;
	s0 =	sld [smem:$0x3FA7]  }
0x30: {  	s3 =	sld [smem:$0x3FAA]  }
0x31: {  	[smem:$0x3FB3] =	sst s10  }
0x32: {  	s10 =	sld [smem:$0x3FB1];
	_ =	sdelay $0x3  }
0x33: {  	p0 =	seq.s32 s10, $0x1;
	s10 =	sld [smem:$0x3FB3];
	_ =	sdelay $0x3  }
0x34: {  	[smem:$0x3FB3] =	sst s10  }
0x35: {  	s10 =	sld [smem:$0x3FB2];
	_ =	sdelay $0x3  }
0x36: {  	p1 =	seq.s32 s10, $0x1;
	s10 =	sld [smem:$0x3FB3];
	_ =	sdelay $0x3  }
0x37: {  	[smem:$0x3FB3] =	sst s10  }
0x38: {  	s10 =	sld [smem:$0x3FB4]  }
0x39: {  	_ = 	snop;
	(pc) =	sbr.ind lr, $3  }
0x3a: {  	_ = 	snop  }
0x3b: {  	_ = 	snop  }
0x3c: {  	p2 =	seq.s32 s10, $0x1;
	s10 =	sld [smem:$0x3FB3]  }
0x3d: {  	_ =	shalt  }
0x3e: {  	_ =	shalt  }
0x3f: {  	_ =	shalt  }
0x40: {  	_ =	shalt  }
0x41: {  	_ =	shalt  }
0x42: {  	_ =	shalt  }
0x43: {  	_ =	shalt  }
0x44: {  	_ =	shalt  }
0x45: {  	_ =	shalt  }
0x46: {  	_ =	shalt  }
0x47: {  	_ =	shalt  }
0x48: {  	_ =	shalt  }
0x49: {  	_ =	shalt  }
0x4a: {  	_ =	shalt  }
0x4b: {  	_ =	shalt  }
0x4c: {  	_ =	shalt  }
0x4d: {  	_ =	shalt  }
0x4e: {  	_ =	shalt  }
0x4f: {  	_ =	shalt  }
0x50: {  	_ =	shalt  }
0x51: {  	_ =	shalt  }
0x52: {  	_ =	shalt  }
0x53: {  	_ =	shalt  }
0x54: {  	_ =	shalt  }
0x55: {  	_ =	shalt  }
0x56: {  	_ =	shalt  }
0x57: {  	_ =	shalt  }
0x58: {  	_ =	shalt  }
0x59: {  	_ =	shalt  }
0x5a: {  	_ =	shalt  }
0x5b: {  	_ =	shalt  }
0x5c: {  	_ =	shalt  }
0x5d: {  	_ =	shalt  }
0x5e: {  	_ =	shalt  }
0x5f: {  	_ =	shalt  }
0x60: {  	_ =	shalt  }
0x61: {  	_ =	shalt  }
0x62: {  	_ =	shalt  }
0x63: {  	_ =	shalt  }
0x64: {  	_ =	shalt  }
0x65: {  	_ =	shalt  }
0x66: {  	_ =	shalt  }
0x67: {  	_ =	shalt  }
0x68: {  	_ =	shalt  }
0x69: {  	_ =	shalt  }
0x6a: {  	_ =	shalt  }
0x6b: {  	_ =	shalt  }
0x6c: {  	_ =	shalt  }
0x6d: {  	_ =	shalt  }
0x6e: {  	_ =	shalt  }
0x6f: {  	_ =	shalt  }
0x70: {  	_ =	shalt  }
0x71: {  	_ =	shalt  }
0x72: {  	_ =	shalt  }
0x73: {  	_ =	shalt  }
0x74: {  	_ =	shalt  }
0x75: {  	_ =	shalt  }
0x76: {  	_ =	shalt  }
0x77: {  	_ =	shalt  }
0x78: {  	_ =	shalt  }
0x79: {  	_ =	shalt  }
0x7a: {  	_ =	shalt  }
0x7b: {  	_ =	shalt  }
0x7c: {  	_ =	shalt  }
0x7d: {  	_ =	shalt  }
0x7e: {  	_ =	shalt  }
0x7f: {  	_ =	shalt  }
0x80: {  	_ =	shalt  }
0x81: {  	_ =	shalt  }
0x82: {  	_ =	shalt  }
0x83: {  	_ =	shalt  }
0x84: {  	_ =	shalt  }
0x85: {  	_ =	shalt  }
0x86: {  	_ =	shalt  }
0x87: {  	_ =	shalt  }
.Lfunc_end0:
.L_simem_size_0:
called_computation_lowered:
.L_overlay_start_0:
0x88: {  	s2 =	sld [smem:$0x3FD9]  }
0x89: {  	s3 =	sld [smem:$0x3FFE];
	_ =	sdelay $0x1  }
0x8a: {  	s1 =	srdreg.scid  }
0x8b: {  	s0 =	sand.u32 $0x1, s1  }
0x8c: {  	s14 =	sshll.u32 s0, $0xA;
	s2 =	sadd.s32 s3, s2  }
0x8d: {  	s2 =	sadd.s32 s2, s14  }
0x8e: {  	[smem:$0x3FBF] =	sst s2  }
0x8f: {  	_ = 	snop  }
0x90: {  	s2 =	sld [smem:$0x3FD0];
	_ =	sdelay $0x2  }
0x91: {  	s15 =	simm.s32 $0xA;
	s4 =	simm.s32 $0x10  }
0x92: {  	[smem:s4], [sflag:s15] =	dma.local [hbm:s2], $0x1  }
0x93: {  	_ =	swait.eq [sflag:s15], $0x1  }
0x94: {  	[sflag:s15] =	ssyncset.done $0x0  }
0x95: {  	s16 =	sld [smem:$0x10];
	[sflag:s15] =	ssyncadd.s32 $0xFFFFFFFF  }
0x96: {  	s17 =	sld [smem:$0x12];
	(tm) =	ssettm $0x1  }
0x97: {  	s18 =	sld [smem:$0x3FFB];
	_ =	sdelay $0x3  }
0x98: {  	_ =	strace s18  }
0x99: {  	s4 =	sld [smem:$0x3FFC];
	_ =	sdelay $0x3  }
0x9a: {  	_ =	strace s4  }
0x9b: {  	s4 =	sld [smem:$0x3FFD];
	_ =	sdelay $0x3  }
0x9c: {  	_ =	strace s4  }
0x9d: {  	_ =	strace $0x8FFFFFFF  }
0x9e: {  	s19 =	sld [smem:$0x3FDB];
	_ =	sdelay $0x1  }
0x9f: {  	s5 =	simm.s32 $_scs_section_size  }
0xa0: {  	s6 =	simm.s32 $_size__tile_overlayer_lowered;
	s7 =	simm.s32 $_tile_overlayer_lowered  }
0xa1: {  	s22 =	simm.s32 $0x1BFF;
	s21 =	sshll.u32 s7, $0x1;
	s4 =	sadd.s32 s5, s19  }
0xa2: {  	s8 =	simm.s32 $0x0;
	s20 =	sshll.u32 s6, $0x1;
	s6 =	sadd.s32 s21, s4  }
0xa3: {  	[timem:s8], [sflag:s22] =	dma.local [hbm:s6], s20  }
0xa4: {  	_ =	swait.ge [sflag:s22], s20  }
0xa5: {  	s5 =	ssub.s32 $0x0, s20;
	[sflag:s22] =	ssyncset.done $0x0  }
0xa6: {  	[sflag:s22] =	ssyncadd.s32 s5;
	_ =	sdelay $0x1  }
0xa7: {  	s23 =	simm.s32 $0x1B8B  }
0xa8: {  	_ =	swait.ge [sflag:s23], $0x1  }
0xa9: {  	[sflag:s23] =	ssyncset.done $0x0  }
0xaa: {  	s25 =	simm.s32 $0x1B8E;
	s24 =	sld [smem:$0x3FFE];
	[sflag:s23] =	ssyncadd.s32 $0xFFFFFFFF  }
0xab: {  	s26 =	simm.s32 $execute0_lowered;
	[smem:$0x3FD2] =	sst s25  }
0xac: {  	s6 =	sshll.u32 s26, $0x1;
	_ =	strace $0x80000046;
	[dreg:$0x1] =	wrdreg $0xFFFFFFFF  }
0xad: {  	s28 =	simm.s32 $_size_execute0_lowered;
	s4 =	sadd.s32 s4, s6;
	[dreg:$0x0] =	wrdreg $0x0  }
0xae: {  	s6 =	sshll.u32 s28, $0x1;
	[dreg:$0x2] =	wrdreg s4  }
0xaf: {  	[dreg:$0x3] =	wrdreg s6  }
0xb0: {  	[dreg:$0x4] =	wrdreg $0xC0  }
0xb1: {  	_ =	task [dreg:s8], $0x5FFFF  }
0xb2: {  	[dreg:$0x1] =	wrdreg $0xFFFFFFFF  }
0xb3: {  	[dreg:$0x0] =	wrdreg $0x60  }
0xb4: {  	[dreg:$0x2] =	wrdreg s17  }
0xb5: {  	[dreg:$0x3] =	wrdreg s24  }
0xb6: {  	[dreg:$0x4] =	wrdreg s16  }
0xb7: {  	[dreg:$0x5] =	wrdreg $0x9  }
0xb8: {  	_ =	task.clear_ibuf [dreg:s8], $0x6FFFF;
	_ =	strace $0x90000046  }
0xb9: {  	s29 =	simm.s32 $0x9;
	_ =	strace $0x80000048  }
0xba: {  	_ =	swait.ge [sflag:s29], $0x1  }
0xbb: {  	[sflag:s29] =	ssyncadd.s32 $0xFFFFFFFF  }
0xbc: {  	_ =	strace $0x90000048  }
0xbd: {  	_ =	sfence  }
0xbe: {  	s30 =	sld [smem:$0x0];
	_ =	sdelay $0x2  }
0xbf: {  	s31 =	sshll.u32 s1, $0xD;
	s1 =	sshrl.u32 s1, $0x2  }
0xc0: {  	s3 =	sand.u32 $0x4000, s31;
	s1 =	sadd.s32 s1, s30  }
0xc1: {  	s0 =	sor.u32 s3, s0;
	s1 =	sshll.u32 s1, $0x11  }
0xc2: {  	s0 =	sor.u32 s1, s0  }
0xc3: {  	s0 =	sadd.s32 $0x8F2B, s0  }
0xc4: {  	[sflag:s0] =	ssyncadd.remote.s32 $0x1  }
0xc5: {  	_ =	sfence.sel $0xFFFF  }
0xc6: {  	[dreg:$0x0] =	wrdreg $0xFFFFFFFF;
	(pc) =	sbr.abs _section_cstart, $3  }
0xc7: {  	[dreg:$0x1] =	wrdreg $0xFFFFFFFF  }
0xc8: {  	_ =	task.clear_ibuf [dreg:s8], $0x2FFFF;
	_ =	strace $0x9FFFFFFF  }
0xc9: {  	(tm) =	ssettm $0x7FFFFFFF  }
tec
execute0_lowered:
.L_overlay_start_1:
0x0: {  	(tag) =	ssettag $0x1  }
0x1: {  	s1 =	rddreg [dreg:$0x0]  }
0x2: {  	s4 =	rddreg [dreg:$0x1]  }
0x3: {  	s2 =	rddreg [dreg:$0x2]  }
0x4: {  	s0 =	rddreg [dreg:$0x3]  }
0x5: {  	s3 =	simm.s32 $0x0;
	s5 =	srdreg.scid;
	s9 =	simm.s32 $0x4400  }
0x6: {  	s10 =	simm.s32 $0x4000;
	s11 =	simm.s32 $0x0;
	s6 =	sand.u32 $0x1, s5  }
0x7: {  	v0 =	vlaneseq.u32;
	[smem:$0x7FF] =	sst s3;
	s5 =	sadd.s32 $0x1400, s4;
	s7 =	ssub.s32 $0x2, s6  }
0x8: {  	s4 =	stileid.u32;
	v5 =	vmul.u32 $0xFFFFFFFF, v0;
	_ =	strace $0x80000047;
	s8 =	sshrl.u32 s7, $0x1  }
0x9: {  	v1 =	vimm.f32 $-2.381976330e+38;
	v6 =	vimm.f32 $0.0e+00;
	v2 =	vor.u32 $0x10, v0;
	s31 =	sshll.u32 s4, $0x4;
	s6 =	sshll.u32 s6, $0x3;
	s7 =	ssub.s32 s7, s8  }
0xa: {  	v3 =	vor.u32 $0x20, v0;
	v4 =	vor.u32 $0x30, v0;
	s6 =	sor.u32 s6, s31;
	v5 =	vadd.s32 $0xF, v5;
	s8 =	simm.s32 $0x1;
	s7 =	smax.u32 s7, $0x1  }
.LBB2_1:
0xb: {  	s12 =	sand.u32 $0x70, s3;
	s13 =	sand.u32 $0x3C00, s3  }
0xc: {  	s12 =	sor.u32 s12, s13  }
0xd: {  	s14 =	simm.s32 $0x0;
	s13 =	simm.s32 $0x10;
	[tilespmem:s12+$0x4400] =	vst v1  }
.LBB2_2:
0xe: {  	p0 =	sne.s32 s13, $0x7F0  }
.Ltmp0:
0xf: {  	_ = 	snop;
	(pc) =	sbr.rel @p0 .LBB2_2-.Ltmp0, $4  }
0x10: {  	s14 =	sadd.s32 $0x80, s14  }
0x11: {  	s12 =	sand.u32 $0x70, s13;
	s15 =	sand.u32 $0x3C00, s14  }
0x12: {  	s12 =	sor.u32 s12, s15  }
0x13: {  	s13 =	sadd.s32 $0x10, s13;
	[tilespmem:s12+$0x4400] =	vst v1;
	s12 =	simm.s32 $0x0  }
0x14: {  	s13 =	sand.u32 $0x70, s12;
	s14 =	sand.u32 $0x3C00, s12  }
0x15: {  	s13 =	sor.u32 s13, s14  }
0x16: {  	s15 =	simm.s32 $0x0;
	s14 =	simm.s32 $0x10;
	[tilespmem:s13+$0x4480] =	vst v1  }
.LBB2_4:
0x17: {  	p0 =	sne.s32 s14, $0x7F0  }
.Ltmp1:
0x18: {  	_ = 	snop;
	(pc) =	sbr.rel @p0 .LBB2_4-.Ltmp1, $4  }
0x19: {  	s15 =	sadd.s32 $0x80, s15  }
0x1a: {  	s16 =	sand.u32 $0x70, s14;
	s17 =	sand.u32 $0x3C00, s15  }
0x1b: {  	s16 =	sor.u32 s16, s17  }
0x1c: {  	s14 =	sadd.s32 $0x10, s14;
	[tilespmem:s16+$0x4480] =	vst v1  }
0x1d: {  	s14 =	simm.s32 $0x10;
	[tilespmem:s13+$0x4500] =	vst v1  }
.LBB2_6:
0x1e: {  	p0 =	sne.s32 s14, $0x7F0  }
.Ltmp2:
0x1f: {  	_ = 	snop;
	(pc) =	sbr.rel @p0 .LBB2_6-.Ltmp2, $4  }
0x20: {  	s12 =	sadd.s32 $0x80, s12  }
0x21: {  	s13 =	sand.u32 $0x70, s14;
	s15 =	sand.u32 $0x3C00, s12  }
0x22: {  	s13 =	sor.u32 s13, s15  }
0x23: {  	s14 =	sadd.s32 $0x10, s14;
	[tilespmem:s13+$0x4500] =	vst v1;
	s13 =	simm.s32 $0x0  }
0x24: {  	s12 =	sand.u32 $0x70, s13;
	s14 =	sand.u32 $0x3C00, s13  }
0x25: {  	s12 =	sor.u32 s12, s14  }
0x26: {  	s15 =	simm.s32 $0x0;
	s14 =	simm.s32 $0x10;
	[tilespmem:s12+$0x4580] =	vst v1  }
.LBB2_8:
0x27: {  	p0 =	sne.s32 s14, $0x7F0  }
.Ltmp3:
0x28: {  	_ = 	snop;
	(pc) =	sbr.rel @p0 .LBB2_8-.Ltmp3, $4  }
0x29: {  	s15 =	sadd.s32 $0x80, s15  }
0x2a: {  	s16 =	sand.u32 $0x70, s14;
	s17 =	sand.u32 $0x3C00, s15  }
0x2b: {  	s16 =	sor.u32 s16, s17  }
0x2c: {  	s14 =	sadd.s32 $0x10, s14;
	[tilespmem:s16+$0x4580] =	vst v1  }
0x2d: {  	s15 =	simm.s32 $0x10;
	[tilespmem:s12+$0x4600] =	vst v1  }
.LBB2_10:
0x2e: {  	p0 =	sne.s32 s15, $0x7F0  }
.Ltmp4:
0x2f: {  	_ = 	snop;
	(pc) =	sbr.rel @p0 .LBB2_10-.Ltmp4, $4  }
0x30: {  	s13 =	sadd.s32 $0x80, s13  }
0x31: {  	s12 =	sand.u32 $0x70, s15;
	s14 =	sand.u32 $0x3C00, s13  }
0x32: {  	s12 =	sor.u32 s12, s14  }
0x33: {  	s15 =	sadd.s32 $0x10, s15;
	s14 =	simm.s32 $0x0;
	[tilespmem:s12+$0x4600] =	vst v1  }
0x34: {  	s12 =	sand.u32 $0x70, s14;
	s13 =	sand.u32 $0x3C00, s14  }
0x35: {  	s12 =	sor.u32 s12, s13  }
0x36: {  	s15 =	simm.s32 $0x0;
	s13 =	simm.s32 $0x10;
	[tilespmem:s12+$0x4680] =	vst v1  }
.LBB2_12:
0x37: {  	p0 =	sne.s32 s13, $0x7F0  }
.Ltmp5:
0x38: {  	_ = 	snop;
	(pc) =	sbr.rel @p0 .LBB2_12-.Ltmp5, $4  }
0x39: {  	s15 =	sadd.s32 $0x80, s15  }
0x3a: {  	s16 =	sand.u32 $0x70, s13;
	s17 =	sand.u32 $0x3C00, s15  }
0x3b: {  	s16 =	sor.u32 s16, s17  }
0x3c: {  	s13 =	sadd.s32 $0x10, s13;
	[tilespmem:s16+$0x4680] =	vst v1  }
0x3d: {  	s13 =	simm.s32 $0x10;
	[tilespmem:s12+$0x4700] =	vst v1  }
.LBB2_14:
0x3e: {  	p0 =	sne.s32 s13, $0x7F0  }
.Ltmp6:
0x3f: {  	_ = 	snop;
	(pc) =	sbr.rel @p0 .LBB2_14-.Ltmp6, $4  }
0x40: {  	s14 =	sadd.s32 $0x80, s14  }
0x41: {  	s12 =	sand.u32 $0x70, s13;
	s15 =	sand.u32 $0x3C00, s14  }
0x42: {  	s12 =	sor.u32 s12, s15  }
0x43: {  	s13 =	sadd.s32 $0x10, s13;
	[tilespmem:s12+$0x4700] =	vst v1;
	s12 =	simm.s32 $0x0  }
0x44: {  	s13 =	sand.u32 $0x7, s12  }
0x45: {  	s13 =	sshll.u32 s13, $0x4  }
0x46: {  	s13 =	sadd.s32 $0x0, s13  }
0x47: {  	s14 =	sor.u32 $0x380, s13  }
0x48: {  	s15 =	simm.s32 $0x0;
	s13 =	simm.s32 $0x10;
	[tilespmem:s14+$0x4400] =	vst v1;
	s14 =	simm.s32 $0x1  }
.LBB2_16:
0x49: {  	s16 =	sand.u32 $0x7, s14;
	p0 =	sne.s32 s13, $0x7F0;
	s13 =	sadd.s32 $0x10, s13  }
.Ltmp7:
0x4a: {  	s15 =	sadd.s32 $0x80, s15;
	s16 =	sshll.u32 s16, $0x4;
	(pc) =	sbr.rel @p0 .LBB2_16-.Ltmp7, $4  }
0x4b: {  	s16 =	sadd.s32 s16, s15  }
0x4c: {  	s16 =	sor.u32 $0x380, s16  }
0x4d: {  	[tilespmem:s16+$0x4400] =	vst v1  }
0x4e: {  	s14 =	sadd.s32 $0x1, s14  }
.LBB2_17:
0x4f: {  	s14 =	sadd.s32 s6, s12  }
0x50: {  	s13 =	sshll.u32 s14, $0xB  }
0x51: {  	s15 =	simm.s32 $0x0;
	s16 =	sadd.s32 s1, s13  }
0x52: {  	[tilespmem:s15], [sflag:$0x1] =	stream.linear.gather [hbm4b:s16+s15], $0x4000, $0x38;
	[tilespmem:$0x8400] =	vst v63  }
0x53: {  	_ =	swait.ge [sflag:s8], $0x4000  }
0x54: {  	[sflag:s8] =	ssyncset.done $0x0  }
0x55: {  	[sflag:s8] =	ssyncadd.s32 $0xFFFFC000  }
.LBB2_18:
0x56: {  	s16 =	sshll.u32 s15, $0x8  }
0x57: {  	v7 =	vld [tilespmem:s16+$0x0]  }
0x58: {  	v8 =	vld [tilespmem:s16+$0x10];
	_ =	sdelay $0x1  }
0x59: {  	v9 =	vld [tilespmem:s16+$0x20]  }
0x5a: {  	v10 =	vld [tilespmem:s16+$0x30]  }
0x5b: {  	(xrf1) =	vsort.ascd.msk.f32 $0xffff, v7, v0  }
0x5c: {  	(xrf1) =	vsort.ascd.msk.f32 $0xffff, v8, v2;
	_ =	sdelay $0x1  }
0x5d: {  	(xrf1) =	vsort.ascd.msk.f32 $0xffff, v9, v3  }
0x5e: {  	(xrf1) =	vsort.ascd.msk.f32 $0xffff, v10, v4;
	_ =	sdelay $0x9  }
0x5f: {  	v7, v8, _ =	vpop (xrf1)  }
0x60: {  	v9, v10, _ =	vpop (xrf1)  }
0x61: {  	v9 =	vperm.xlane v9, v5  }
0x62: {  	v11, v12, _ =	vpop (xrf1)  }
0x63: {  	v10 =	vperm.xlane v10, v5;
	v13, v14, _ =	vpop (xrf1);
	vm0 =	vge.f32 v7, v9  }
0x64: {  	v13 =	vperm.xlane v13, v5;
	v15 =	vsel vm0, v9, v7  }
0x65: {  	v16 =	vsel vm0, v10, v8;
	v7 =	vsel vm0, v7, v9;
	v9 =	vperm.xlane v14, v5  }
0x66: {  	v8 =	vsel vm0, v8, v10;
	(xrf1) =	vsort.ascd.msk.f32 $0xffff, v15, v16;
	vm0 =	vge.f32 v11, v13  }
0x67: {  	(xrf1) =	vsort.ascd.msk.f32 $0xffff, v7, v8;
	v7 =	vsel vm0, v13, v11;
	v8 =	vsel vm0, v9, v12  }
0x68: {  	v10 =	vsel vm0, v11, v13;
	v9 =	vsel vm0, v12, v9;
	(xrf1) =	vsort.ascd.msk.f32 $0xffff, v7, v8  }
0x69: {  	(xrf1) =	vsort.ascd.msk.f32 $0xffff, v10, v9;
	_ =	sdelay $0xa  }
0x6a: {  	v7, v8, _ =	vpop (xrf1)  }
0x6b: {  	v9, v10, _ =	vpop (xrf1)  }
0x6c: {  	v11, v12, _ =	vpop (xrf1)  }
0x6d: {  	v13, v14, _ =	vpop (xrf1)  }
0x6e: {  	v11 =	vperm.xlane v11, v5;
	v13 =	vperm.xlane v13, v5  }
0x6f: {  	v14 =	vperm.xlane v14, v5  }
0x70: {  	v12 =	vperm.xlane v12, v5;
	vm1 =	vge.f32 v9, v11;
	vm0 =	vge.f32 v7, v13  }
0x71: {  	v15 =	vsel vm0, v13, v7;
	v16 =	vsel vm0, v14, v8;
	v7 =	vsel vm0, v7, v13  }
0x72: {  	s18 =	sshllo.u32 s15, $0x1;
	v8 =	vsel vm0, v8, v14;
	v13 =	vsel vm1, v11, v9;
	v14 =	vsel vm1, v12, v10  }
0x73: {  	s17 =	sshll.u32 s18, $0x7;
	v9 =	vsel vm1, v9, v11;
	v10 =	vsel vm1, v10, v12;
	vm0 =	vge.f32 v15, v13  }
0x74: {  	v11 =	vsel vm0, v13, v15;
	v12 =	vsel vm0, v14, v16;
	v13 =	vsel vm0, v15, v13;
	v15 =	vld [tilespmem:s17+$0x0]  }
0x75: {  	v14 =	vsel vm0, v16, v14;
	vm0 =	vge.f32 v7, v9;
	(xrf1) =	vsort.ascd.msk.f32 $0xffff, v11, v12;
	v11 =	vld [tilespmem:s17+$0x10]  }
0x76: {  	v12 =	vsel vm0, v9, v7;
	v16 =	vsel vm0, v10, v8;
	(xrf1) =	vsort.ascd.msk.f32 $0xffff, v13, v14  }
0x77: {  	v7 =	vsel vm0, v7, v9;
	v8 =	vsel vm0, v8, v10;
	v9 =	vld [tilespmem:s17+$0x20];
	(xrf1) =	vsort.ascd.msk.f32 $0xffff, v12, v16  }
0x78: {  	(xrf1) =	vsort.ascd.msk.f32 $0xffff, v7, v8;
	v7 =	vld [tilespmem:s17+$0x30]  }
0x79: {  	(xrf1) =	vsort.ascd.msk.f32 $0xffff, v15, v0  }
0x7a: {  	(xrf1) =	vsort.ascd.msk.f32 $0xffff, v11, v2;
	_ =	sdelay $0x1  }
0x7b: {  	(xrf1) =	vsort.ascd.msk.f32 $0xffff, v9, v3  }
0x7c: {  	(xrf1) =	vsort.ascd.msk.f32 $0xffff, v7, v4;
	_ =	sdelay $0x5  }
0x7d: {  	v14, v12, _ =	vpop (xrf1)  }
0x7e: {  	v9, v13, _ =	vpop (xrf1)  }
0x7f: {  	v10, v8, _ =	vpop (xrf1)  }
0x80: {  	v11, v7, _ =	vpop (xrf1)  }
0x81: {  	v15, v16, _ =	vpop (xrf1)  }
0x82: {  	v17, v18, _ =	vpop (xrf1)  }
0x83: {  	v17 =	vperm.xlane v17, v5  }
0x84: {  	v19, v20, _ =	vpop (xrf1)  }
0x85: {  	v18 =	vperm.xlane v18, v5;
	v21, v22, _ =	vpop (xrf1);
	vm0 =	vge.f32 v15, v17  }
0x86: {  	v23 =	vsel vm0, v17, v15;
	v21 =	vperm.xlane v21, v5  }
0x87: {  	v24 =	vsel vm0, v18, v16;
	v15 =	vsel vm0, v15, v17;
	v17 =	vperm.xlane v22, v5  }
0x88: {  	v16 =	vsel vm0, v16, v18;
	(xrf1) =	vsort.ascd.msk.f32 $0xffff, v23, v24;
	vm0 =	vge.f32 v19, v21  }
0x89: {  	(xrf1) =	vsort.ascd.msk.f32 $0xffff, v15, v16;
	v15 =	vsel vm0, v21, v19;
	v16 =	vsel vm0, v17, v20  }
0x8a: {  	v18 =	vsel vm0, v19, v21;
	v17 =	vsel vm0, v20, v17;
	(xrf1) =	vsort.ascd.msk.f32 $0xffff, v15, v16  }
0x8b: {  	(xrf1) =	vsort.ascd.msk.f32 $0xffff, v18, v17;
	_ =	sdelay $0xa  }
0x8c: {  	v15, v16, _ =	vpop (xrf1)  }
0x8d: {  	v17, v18, _ =	vpop (xrf1)  }
0x8e: {  	v19, v20, _ =	vpop (xrf1)  }
0x8f: {  	v21, v22, _ =	vpop (xrf1)  }
0x90: {  	v19 =	vperm.xlane v19, v5;
	v21 =	vperm.xlane v21, v5  }
0x91: {  	v22 =	vperm.xlane v22, v5  }
0x92: {  	s19 =	simm.s32 $0x200;
	v20 =	vperm.xlane v20, v5;
	vm1 =	vge.f32 v17, v19;
	vm0 =	vge.f32 v15, v21  }
0x93: {  	s20 =	simm.s32 $0x40;
	s19 =	sand.u32 $0x3C00, s19;
	v23 =	vsel vm0, v21, v15;
	v24 =	vsel vm0, v22, v16;
	v15 =	vsel vm0, v15, v21  }
0x94: {  	s21 =	sand.u32 $0x40, s20;
	s22 =	sadd.s32 s16, s19;
	v16 =	vsel vm0, v16, v22;
	v21 =	vsel vm1, v19, v17;
	v22 =	vsel vm1, v20, v18  }
0x95: {  	s19 =	sadd.s32 s17, s19;
	s23 =	sadd.s32 s21, s22;
	v17 =	vsel vm1, v17, v19;
	v18 =	vsel vm1, v18, v20;
	vm0 =	vge.f32 v23, v21  }
0x96: {  	s31 =	sor.u32 $0x10, s21;
	s24 =	sadd.s32 s21, s19;
	v19 =	vsel vm0, v21, v23;
	v20 =	vsel vm0, v22, v24;
	v21 =	vsel vm0, v23, v21;
	v23 =	vld [tilespmem:s23+$0x0]  }
0x97: {  	s26 =	sor.u32 $0x20, s21;
	s25 =	sadd.s32 s31, s22;
	v22 =	vsel vm0, v24, v22;
	vm0 =	vge.f32 v15, v17;
	(xrf1) =	vsort.ascd.msk.f32 $0xffff, v19, v20;
	v19 =	vld [tilespmem:s24+$0x0]  }
0x98: {  	v20 =	vsel vm0, v17, v15;
	v24 =	vsel vm0, v18, v16;
	(xrf1) =	vsort.ascd.msk.f32 $0xffff, v21, v22;
	v21 =	vld [tilespmem:s25+$0x0];
	s25 =	sadd.s32 s26, s22  }
0x99: {  	s23 =	sadd.s32 s31, s19;
	v15 =	vsel vm0, v15, v17;
	v16 =	vsel vm0, v16, v18;
	(xrf1) =	vsort.ascd.msk.f32 $0xffff, v20, v24;
	v17 =	vld [tilespmem:s25+$0x0]  }
0x9a: {  	s21 =	sor.u32 $0x30, s21;
	s28 =	sadd.s32 s26, s19;
	(xrf1) =	vsort.ascd.msk.f32 $0xffff, v15, v16;
	v15 =	vor.u32 s20, v0;
	v16 =	vld [tilespmem:s23+$0x0]  }
0x9b: {  	v18 =	vld [tilespmem:s28+$0x0];
	s22 =	sadd.s32 s21, s22;
	(xrf1) =	vsort.ascd.msk.f32 $0xffff, v23, v15  }
0x9c: {  	s19 =	sadd.s32 s21, s19;
	v22 =	vor.u32 s20, v2;
	v20 =	vld [tilespmem:s22+$0x0];
	(xrf1) =	vsort.ascd.msk.f32 $0xffff, v19, v15  }
0x9d: {  	v15 =	vor.u32 s20, v3;
	v19 =	vld [tilespmem:s19+$0x0];
	(xrf1) =	vsort.ascd.msk.f32 $0xffff, v21, v22  }
0x9e: {  	(xrf1) =	vsort.ascd.msk.f32 $0xffff, v17, v15  }
0x9f: {  	(xrf1) =	vsort.ascd.msk.f32 $0xffff, v16, v22  }
0xa0: {  	v16 =	vor.u32 s20, v4;
	(xrf1) =	vsort.ascd.msk.f32 $0xffff, v18, v15  }
0xa1: {  	(xrf1) =	vsort.ascd.msk.f32 $0xffff, v20, v16  }
0xa2: {  	(xrf1) =	vsort.ascd.msk.f32 $0xffff, v19, v16;
	_ =	sdelay $0x2  }
0xa3: {  	v22, v20, _ =	vpop (xrf1)  }
0xa4: {  	v17, v21, _ =	vpop (xrf1)  }
0xa5: {  	v18, v16, _ =	vpop (xrf1)  }
0xa6: {  	v19, v15, _ =	vpop (xrf1)  }
0xa7: {  	v23, v24, _ =	vpop (xrf1)  }
0xa8: {  	v25, v26, _ =	vpop (xrf1)  }
0xa9: {  	v27, v28, _ =	vpop (xrf1)  }
0xaa: {  	v29, v30, _ =	vpop (xrf1);
	v27 =	vperm.xlane v27, v5  }
0xab: {  	v28 =	vperm.xlane v28, v5;
	v31, v32, _ =	vpop (xrf1)  }
0xac: {  	v33, v34, _ =	vpop (xrf1);
	v32 =	vperm.xlane v32, v5;
	v31 =	vperm.xlane v31, v5;
	vm0 =	vge.f32 v23, v27  }
0xad: {  	v35, v36, _ =	vpop (xrf1);
	v39 =	vsel vm0, v27, v23;
	v40 =	vsel vm0, v28, v24;
	v23 =	vsel vm0, v23, v27  }
0xae: {  	v24 =	vsel vm0, v24, v28;
	v37, v38, _ =	vpop (xrf1);
	v35 =	vperm.xlane v35, v5;
	v36 =	vperm.xlane v36, v5  }
0xaf: {  	vm2 =	vge.f32 v25, v31;
	(xrf1) =	vsort.ascd.msk.f32 $0xffff, v39, v40;
	v37 =	vperm.xlane v37, v5  }
0xb0: {  	v38 =	vperm.xlane v38, v5;
	v27 =	vsel vm2, v31, v25;
	v28 =	vsel vm2, v32, v26  }
0xb1: {  	(xrf1) =	vsort.ascd.msk.f32 $0xffff, v23, v24;
	v23 =	vsel vm2, v25, v31;
	v24 =	vsel vm2, v26, v32  }
0xb2: {  	vm1 =	vge.f32 v29, v35;
	(xrf1) =	vsort.ascd.msk.f32 $0xffff, v27, v28;
	vm3 =	vge.f32 v33, v37  }
0xb3: {  	v25 =	vsel vm1, v35, v29;
	v26 =	vsel vm1, v36, v30;
	(xrf1) =	vsort.ascd.msk.f32 $0xffff, v23, v24  }
0xb4: {  	v23 =	vsel vm1, v29, v35;
	v24 =	vsel vm1, v30, v36;
	(xrf1) =	vsort.ascd.msk.f32 $0xffff, v25, v26  }
0xb5: {  	s19 =	simm.s32 $0x400;
	v25 =	vsel vm3, v37, v33;
	v26 =	vsel vm3, v38, v34;
	(xrf1) =	vsort.ascd.msk.f32 $0xffff, v23, v24  }
0xb6: {  	s29 =	sand.u32 $0x3C00, s19;
	s20 =	simm.s32 $0x80;
	v23 =	vsel vm3, v33, v37;
	v24 =	vsel vm3, v34, v38;
	(xrf1) =	vsort.ascd.msk.f32 $0xffff, v25, v26  }
0xb7: {  	s23 =	sadd.s32 s16, s29;
	s22 =	sand.u32 $0x40, s20;
	(xrf1) =	vsort.ascd.msk.f32 $0xffff, v23, v24  }
0xb8: {  	s21 =	sadd.s32 s17, s29;
	s30 =	sadd.s32 s22, s23  }
0xb9: {  	s31 =	sor.u32 $0x10, s22;
	s26 =	sadd.s32 s22, s21;
	v23 =	vld [tilespmem:s30+$0x0]  }
0xba: {  	s28 =	sor.u32 $0x20, s22;
	s29 =	sadd.s32 s31, s23;
	v24 =	vld [tilespmem:s26+$0x0]  }
0xbb: {  	v27 =	vld [tilespmem:s29+$0x0];
	s30 =	sadd.s32 s28, s23  }
0xbc: {  	s24 =	sadd.s32 s31, s21;
	v30 =	vld [tilespmem:s30+$0x0]  }
0xbd: {  	v50 =	vor.u32 s20, v0;
	s22 =	sor.u32 $0x30, s22;
	s31 =	sadd.s32 s28, s21;
	v51 =	vld [tilespmem:s24+$0x0]  }
0xbe: {  	v54 =	vld [tilespmem:s31+$0x0];
	s23 =	sadd.s32 s22, s23;
	(xrf1) =	vsort.ascd.msk.f32 $0xffff, v23, v50;
	v25, v26, _ =	vpop (xrf1)  }
0xbf: {  	v57 =	vor.u32 s20, v2;
	s21 =	sadd.s32 s22, s21;
	v56 =	vld [tilespmem:s23+$0x0];
	(xrf1) =	vsort.ascd.msk.f32 $0xffff, v24, v50;
	v28, v29, _ =	vpop (xrf1)  }
0xc0: {  	v41 =	vor.u32 s20, v3;
	v42 =	vld [tilespmem:s21+$0x0];
	(xrf1) =	vsort.ascd.msk.f32 $0xffff, v27, v57;
	v31, v49, _ =	vpop (xrf1)  }
0xc1: {  	(xrf1) =	vsort.ascd.msk.f32 $0xffff, v30, v41;
	v52, v53, _ =	vpop (xrf1)  }
0xc2: {  	(xrf1) =	vsort.ascd.msk.f32 $0xffff, v51, v57;
	v23, v55, _ =	vpop (xrf1)  }
0xc3: {  	v58 =	vor.u32 s20, v4;
	(xrf1) =	vsort.ascd.msk.f32 $0xffff, v54, v41;
	v24, v33, _ =	vpop (xrf1);
	v59 =	vperm.xlane v55, v5  }
0xc4: {  	(xrf1) =	vsort.ascd.msk.f32 $0xffff, v56, v58;
	v23 =	vperm.xlane v23, v5;
	v27, v43, _ =	vpop (xrf1);
	v33 =	vperm.xlane v33, v5  }
0xc5: {  	(xrf1) =	vsort.ascd.msk.f32 $0xffff, v42, v58;
	v24 =	vperm.xlane v24, v5;
	v30, v44, _ =	vpop (xrf1);
	v27 =	vperm.xlane v27, v5  }
0xc6: {  	vm1 =	vge.f32 v28, v23;
	v61 =	vperm.xlane v43, v5;
	v60 =	vperm.xlane v44, v5  }
0xc7: {  	v30 =	vperm.xlane v30, v5;
	vm0 =	vge.f32 v25, v24;
	v63 =	vsel vm1, v59, v29  }
0xc8: {  	v29 =	vsel vm1, v29, v59;
	v47 =	vsel vm1, v23, v28;
	v23 =	vsel vm1, v28, v23  }
0xc9: {  	v62 =	vsel vm0, v33, v26;
	vm3 =	vge.f32 v52, v27;
	v26 =	vsel vm0, v26, v33  }
0xca: {  	v46 =	vsel vm0, v24, v25;
	v24 =	vsel vm0, v25, v24;
	vm2 =	vge.f32 v31, v30  }
0xcb: {  	v45 =	vsel vm3, v61, v53;
	v25 =	vsel vm3, v53, v61;
	vm0 =	vge.f32 v46, v47  }
0xcc: {  	vm1 =	vge.f32 v24, v23;
	v44 =	vsel vm2, v60, v49;
	v32 =	vsel vm2, v49, v60  }
0xcd: {  	v28 =	vsel vm2, v30, v31;
	v30 =	vsel vm2, v31, v30;
	v31 =	vsel vm3, v27, v52  }
0xce: {  	v27 =	vsel vm3, v52, v27;
	v48 =	vsel vm0, v47, v46;
	v49 =	vsel vm0, v63, v62  }
0xcf: {  	v34 =	vsel vm0, v46, v47;
	v33 =	vsel vm0, v62, v63;
	v50 =	vsel vm1, v23, v24  }
0xd0: {  	v51 =	vsel vm1, v29, v26;
	v23 =	vsel vm1, v24, v23;
	v24 =	vsel vm1, v26, v29  }
0xd1: {  	vm2 =	vge.f32 v28, v31;
	vm3 =	vge.f32 v30, v27;
	(xrf1) =	vsort.ascd.msk.f32 $0xffff, v48, v49  }
0xd2: {  	(xrf1) =	vsort.ascd.msk.f32 $0xffff, v34, v33;
	v52 =	vsel vm2, v31, v28;
	v53 =	vsel vm2, v45, v44  }
0xd3: {  	v54 =	vsel vm3, v27, v30;
	v55 =	vsel vm3, v25, v32;
	(xrf1) =	vsort.ascd.msk.f32 $0xffff, v50, v51  }
0xd4: {  	v26, v29, _ =	vpop (xrf1);
	v27 =	vsel vm3, v30, v27;
	v25 =	vsel vm3, v32, v25;
	(xrf1) =	vsort.ascd.msk.f32 $0xffff, v23, v24  }
0xd5: {  	v28 =	vsel vm2, v28, v31;
	v31 =	vsel vm2, v44, v45;
	v23, v24, _ =	vpop (xrf1);
	(xrf1) =	vsort.ascd.msk.f32 $0xffff, v52, v53  }
0xd6: {  	v33, v34, _ =	vpop (xrf1);
	(xrf1) =	vsort.ascd.msk.f32 $0xffff, v54, v55  }
0xd7: {  	v30, v56, _ =	vpop (xrf1);
	v33 =	vperm.xlane v33, v5;
	(xrf1) =	vsort.ascd.msk.f32 $0xffff, v27, v25  }
0xd8: {  	v34 =	vperm.xlane v34, v5;
	v25, v27, _ =	vpop (xrf1);
	(xrf1) =	vsort.ascd.msk.f32 $0xffff, v28, v31  }
0xd9: {  	v28, v31, _ =	vpop (xrf1);
	v27 =	vperm.xlane v27, v5;
	v25 =	vperm.xlane v25, v5;
	vm0 =	vge.f32 v26, v33  }
0xda: {  	v35, v36, _ =	vpop (xrf1);
	v57 =	vsel vm0, v33, v26;
	v58 =	vsel vm0, v34, v29;
	v26 =	vsel vm0, v26, v33  }
0xdb: {  	v29 =	vsel vm0, v29, v34;
	v37, v38, _ =	vpop (xrf1);
	v35 =	vperm.xlane v35, v5;
	v36 =	vperm.xlane v36, v5  }
0xdc: {  	vm2 =	vge.f32 v23, v25;
	v37 =	vperm.xlane v37, v5;
	v38 =	vperm.xlane v38, v5  }
0xdd: {  	v59 =	vsel vm2, v25, v23;
	v62 =	vsel vm2, v27, v24;
	v23 =	vsel vm2, v23, v25  }
0xde: {  	v24 =	vsel vm2, v24, v27;
	vm1 =	vge.f32 v30, v35;
	vm3 =	vge.f32 v28, v37  }
0xdf: {  	v63 =	vsel vm1, v35, v30;
	v52 =	vsel vm1, v36, v56;
	v30 =	vsel vm1, v30, v35;
	v61, v60, _ =	vpop (xrf1)  }
0xe0: {  	v32 =	vsel vm1, v56, v36;
	v54 =	vsel vm3, v37, v28;
	v46 =	vsel vm3, v38, v31;
	v25, v27, _ =	vpop (xrf1)  }
0xe1: {  	v28 =	vsel vm3, v28, v37;
	v31 =	vsel vm3, v31, v38;
	v34 =	vperm.xlane v61, v5;
	v53, v45, _ =	vpop (xrf1)  }
0xe2: {  	v41 =	vperm.xlane v60, v5;
	v25 =	vperm.xlane v25, v5;
	v47, v48, _ =	vpop (xrf1);
	(xrf1) =	vsort.ascd.msk.f32 $0xffff, v57, v58  }
0xe3: {  	v57 =	vperm.xlane v27, v5;
	vm3 =	vge.f32 v11, v34;
	v55, v56, _ =	vpop (xrf1);
	(xrf1) =	vsort.ascd.msk.f32 $0xffff, v26, v29  }
0xe4: {  	v26 =	vperm.xlane v48, v5;
	v29 =	vperm.xlane v45, v5;
	v39, v40, _ =	vpop (xrf1);
	(xrf1) =	vsort.ascd.msk.f32 $0xffff, v59, v62  }
0xe5: {  	vm2 =	vge.f32 v10, v25;
	v11 =	vsel vm3, v11, v34;
	v27, v58, _ =	vpop (xrf1);
	(xrf1) =	vsort.ascd.msk.f32 $0xffff, v23, v24  }
0xe6: {  	v60 =	vperm.xlane v56, v5;
	v10 =	vsel vm2, v10, v25;
	v23, v24, _ =	vpop (xrf1);
	(xrf1) =	vsort.ascd.msk.f32 $0xffff, v63, v52  }
0xe7: {  	v33 =	vsel vm2, v8, v57;
	v59 =	vperm.xlane v24, v5;
	(xrf1) =	vsort.ascd.msk.f32 $0xffff, v30, v32  }
0xe8: {  	v24 =	vperm.xlane v47, v5;
	v30 =	vperm.xlane v53, v5;
	(xrf1) =	vsort.ascd.msk.f32 $0xffff, v54, v46  }
0xe9: {  	v40 =	vperm.xlane v40, v5;
	v39 =	vperm.xlane v39, v5;
	(xrf1) =	vsort.ascd.msk.f32 $0xffff, v28, v31  }
0xea: {  	v61 =	vperm.xlane v27, v5;
	vm0 =	vge.f32 v14, v24;
	vm1 =	vge.f32 v9, v30  }
0xeb: {  	v14 =	vsel vm0, v14, v24;
	v32 =	vsel vm0, v12, v26;
	v9 =	vsel vm1, v9, v30  }
0xec: {  	v27 =	vsel vm1, v13, v29;
	vm2 =	vge.f32 v14, v10;
	vm1 =	vge.f32 v9, v11  }
0xed: {  	v13 =	vsel vm3, v7, v41;
	v26 =	vsel vm2, v14, v10;
	v28 =	vsel vm1, v9, v11  }
0xee: {  	v29 =	vsel vm2, v32, v33;
	v31 =	vsel vm1, v27, v13;
	vm0 =	vge.f32 v26, v28  }
0xef: {  	v63 =	vperm.xlane v55, v5;
	v62 =	vperm.xlane v23, v5;
	v23 =	vsel vm0, v29, v31  }
0xf0: {  	v42 =	vperm.xlane v58, v5;
	v34 =	vsel vm2, v10, v14;
	v10 =	vsel vm0, v26, v28;
	v7, v12, _ =	vpop (xrf1)  }
0xf1: {  	vm4 =	vge.f32 v17, v39;
	vm6 =	vge.f32 v19, v63;
	(xrf1) =	vsort.ascd.msk.f32 $0xffff, v10, v23;
	v8, v14, _ =	vpop (xrf1)  }
0xf2: {  	v36 =	vsel vm4, v21, v40;
	v39 =	vsel vm4, v17, v39;
	v35 =	vsel vm1, v11, v9;
	v9, v24, _ =	vpop (xrf1)  }
0xf3: {  	vm5 =	vge.f32 v18, v62;
	v40 =	vsel vm6, v19, v63;
	vm3 =	vge.f32 v22, v61;
	v10, v23, _ =	vpop (xrf1)  }
0xf4: {  	v41 =	vsel vm5, v18, v62;
	v38 =	vsel vm3, v22, v61;
	v37 =	vsel vm3, v20, v42;
	v25, v30, _ =	vpop (xrf1)  }
0xf5: {  	v42 =	vsel vm5, v16, v59;
	vm3 =	vge.f32 v39, v40;
	vm5 =	vge.f32 v38, v41;
	v17, v21, _ =	vpop (xrf1)  }
0xf6: {  	v44 =	vsel vm6, v15, v60;
	v43 =	vsel vm3, v39, v40;
	v16 =	vsel vm5, v38, v41;
	v18, v19, _ =	vpop (xrf1)  }
0xf7: {  	s20 =	sshll.u32 s15, $0x1;
	s21 =	simm.s32 $0xC0;
	v15 =	vsel vm3, v36, v44;
	v11 =	vsel vm5, v37, v42;
	vm4 =	vge.f32 v16, v43;
	v20, v22, _ =	vpop (xrf1)  }
.LBB2_19:
0xf8: {  	p0 =	sne.s32 s21, $0x7C0;
	v38 =	vsel vm5, v41, v38;
	v41 =	vsel vm4, v16, v43;
	v45 =	vsel vm4, v11, v15  }
0xf9: {  	v37 =	vsel vm5, v42, v37;
	v39 =	vsel vm3, v40, v39;
	(xrf1) =	vsort.ascd.msk.f32 $0xffff, v41, v45  }
0xfa: {  	s19 =	sadd.s32 $0x200, s19;
	v36 =	vsel vm3, v44, v36;
	v16 =	vsel vm4, v43, v16;
	vm3 =	vge.f32 v38, v39  }
0xfb: {  	s22 =	sand.u32 $0x3C00, s19;
	v40 =	vsel vm3, v39, v38;
	v41 =	vsel vm3, v36, v37;
	v38 =	vsel vm3, v38, v39  }
0xfc: {  	s23 =	sand.u32 $0x40, s21;
	v11 =	vsel vm4, v15, v11;
	s24 =	sadd.s32 s16, s22;
	v36 =	vsel vm3, v37, v36;
	(xrf1) =	vsort.ascd.msk.f32 $0xffff, v40, v41  }
0xfd: {  	v15 =	vsel vm2, v33, v32;
	vm2 =	vge.f32 v34, v35;
	s22 =	sadd.s32 s17, s22;
	s25 =	sadd.s32 s23, s24;
	(xrf1) =	vsort.ascd.msk.f32 $0xffff, v38, v36  }
0xfe: {  	s26 =	sadd.s32 s23, s22;
	v36 =	vsel vm1, v13, v27;
	v27 =	vsel vm2, v35, v34;
	v32 =	vld [tilespmem:s25+$0x0];
	s25 =	sor.u32 $0x10, s23;
	(xrf1) =	vsort.ascd.msk.f32 $0xffff, v16, v11  }
0xff: {  	s29 =	sor.u32 $0x20, s23;
	v34 =	vsel vm2, v34, v35;
	v33 =	vsel vm2, v36, v15;
	v15 =	vsel vm2, v15, v36;
	s28 =	sadd.s32 s25, s24;
	v11 =	vld [tilespmem:s26+$0x0];
	v16, v13, _ =	vpop (xrf1)  }
0x100: {  	v26 =	vsel vm0, v28, v26;
	v28 =	vsel vm0, v31, v29;
	s26 =	sadd.s32 s29, s24;
	v35 =	vld [tilespmem:s28+$0x0];
	(xrf1) =	vsort.ascd.msk.f32 $0xffff, v27, v33  }
0x101: {  	s25 =	sadd.s32 s25, s22;
	v27 =	vld [tilespmem:s26+$0x0];
	(xrf1) =	vsort.ascd.msk.f32 $0xffff, v34, v15  }
0x102: {  	s23 =	sor.u32 $0x30, s23;
	v15 =	vor.u32 s21, v0;
	v29 =	vld [tilespmem:s25+$0x0];
	s25 =	sadd.s32 s29, s22;
	(xrf1) =	vsort.ascd.msk.f32 $0xffff, v26, v28  }
0x103: {  	s24 =	sadd.s32 s23, s24;
	v26 =	vld [tilespmem:s25+$0x0];
	(xrf1) =	vsort.ascd.msk.f32 $0xffff, v32, v15  }
0x104: {  	v31 =	vor.u32 s21, v2;
	s22 =	sadd.s32 s23, s22;
	v28 =	vld [tilespmem:s24+$0x0];
	(xrf1) =	vsort.ascd.msk.f32 $0xffff, v11, v15  }
0x105: {  	v25 =	vperm.xlane v25, v5;
	v32 =	vor.u32 s21, v3;
	v33 =	vld [tilespmem:s22+$0x0];
	(xrf1) =	vsort.ascd.msk.f32 $0xffff, v35, v31  }
0x106: {  	(xrf1) =	vsort.ascd.msk.f32 $0xffff, v27, v32  }
0x107: {  	vm1 =	vge.f32 v8, v25;
	v27 =	vperm.xlane v21, v5;
	v21 =	vor.u32 s21, v4;
	(xrf1) =	vsort.ascd.msk.f32 $0xffff, v29, v31;
	v15, v11, _ =	vpop (xrf1)  }
0x108: {  	v29 =	vperm.xlane v22, v5;
	(xrf1) =	vsort.ascd.msk.f32 $0xffff, v26, v32;
	v26 =	vperm.xlane v30, v5  }
0x109: {  	v38 =	vsel vm1, v25, v8;
	(xrf1) =	vsort.ascd.msk.f32 $0xffff, v28, v21;
	v28 =	vperm.xlane v17, v5  }
0x10a: {  	v31 =	vperm.xlane v18, v5;
	v30 =	vperm.xlane v20, v5;
	(xrf1) =	vsort.ascd.msk.f32 $0xffff, v33, v21;
	v18, v17, _ =	vpop (xrf1)  }
0x10b: {  	v25 =	vsel vm1, v8, v25;
	v32 =	vperm.xlane v19, v5;
	vm0 =	vge.f32 v7, v28;
	v19, v21, _ =	vpop (xrf1)  }
0x10c: {  	vm3 =	vge.f32 v10, v31;
	vm2 =	vge.f32 v9, v30;
	v33 =	vsel vm0, v27, v12;
	v22, v20, _ =	vpop (xrf1)  }
0x10d: {  	v34 =	vsel vm1, v26, v14;
	v26 =	vsel vm1, v14, v26;
	v27 =	vsel vm0, v12, v27  }
0x10e: {  	v36 =	vsel vm3, v32, v23;
	v35 =	vsel vm2, v29, v24;
	v29 =	vsel vm2, v24, v29;
	v14, v12, _ =	vpop (xrf1)  }
0x10f: {  	v32 =	vsel vm3, v23, v32;
	v37 =	vsel vm0, v28, v7;
	v28 =	vsel vm0, v7, v28;
	v7, v23, _ =	vpop (xrf1)  }
0x110: {  	v39 =	vsel vm2, v30, v9;
	v9 =	vsel vm2, v9, v30;
	v30 =	vsel vm3, v31, v10;
	v24, v8, _ =	vpop (xrf1)  }
0x111: {  	v10 =	vsel vm3, v10, v31;
	vm0 =	vge.f32 v39, v30;
	vm1 =	vge.f32 v37, v38;
	v40, v41, _ =	vpop (xrf1)  }
0x112: {  	vm2 =	vge.f32 v28, v25;
	v45 =	vsel vm1, v38, v37;
	v37 =	vsel vm1, v37, v38;
	v31, v42, _ =	vpop (xrf1)  }
0x113: {  	vm3 =	vge.f32 v9, v10;
	v46 =	vsel vm1, v34, v33;
	v33 =	vsel vm1, v33, v34;
	v43, v44, _ =	vpop (xrf1)  }
0x114: {  	v47, v48, _ =	vpop (xrf1);
	(xrf1) =	vsort.ascd.msk.f32 $0xffff, v45, v46  }
0x115: {  	v45 =	vsel vm2, v25, v28;
	v46 =	vsel vm2, v26, v27;
	v34, v38, _ =	vpop (xrf1);
	(xrf1) =	vsort.ascd.msk.f32 $0xffff, v37, v33  }
0x116: {  	v50 =	vsel vm2, v28, v25;
	v49 =	vsel vm2, v27, v26;
	v33, v37, _ =	vpop (xrf1);
	(xrf1) =	vsort.ascd.msk.f32 $0xffff, v45, v46  }
0x117: {  	v45 =	vsel vm0, v30, v39;
	v46 =	vsel vm0, v36, v35;
	v27, v28, _ =	vpop (xrf1);
	(xrf1) =	vsort.ascd.msk.f32 $0xffff, v50, v49  }
0x118: {  	v49 =	vsel vm3, v10, v9;
	v50 =	vsel vm3, v32, v29;
	v25, v26, _ =	vpop (xrf1);
	(xrf1) =	vsort.ascd.msk.f32 $0xffff, v45, v46  }
0x119: {  	v9 =	vsel vm3, v9, v10;
	v10 =	vsel vm3, v29, v32;
	(xrf1) =	vsort.ascd.msk.f32 $0xffff, v49, v50  }
0x11a: {  	v29 =	vsel vm0, v39, v30;
	v30 =	vsel vm0, v35, v36;
	(xrf1) =	vsort.ascd.msk.f32 $0xffff, v9, v10  }
0x11b: {  	v27 =	vperm.xlane v27, v5;
	(xrf1) =	vsort.ascd.msk.f32 $0xffff, v29, v30  }
0x11c: {  	v9 =	vperm.xlane v44, v5;
	v10 =	vperm.xlane v38, v5  }
0x11d: {  	v29 =	vperm.xlane v43, v5;
	v30 =	vperm.xlane v34, v5  }
0x11e: {  	v28 =	vperm.xlane v28, v5;
	v25 =	vperm.xlane v25, v5  }
0x11f: {  	v26 =	vperm.xlane v26, v5;
	vm1 =	vge.f32 v47, v27  }
0x120: {  	vm3 =	vge.f32 v33, v25;
	vm0 =	vge.f32 v40, v29;
	vm2 =	vge.f32 v31, v30  }
0x121: {  	v45 =	vsel vm3, v25, v33;
	v32 =	vsel vm0, v29, v40;
	v34 =	vsel vm0, v9, v41  }
0x122: {  	v29 =	vsel vm0, v40, v29;
	v9 =	vsel vm0, v41, v9;
	v35 =	vsel vm2, v30, v31;
	v36, v38, _ =	vpop (xrf1)  }
0x123: {  	v39 =	vsel vm2, v10, v42;
	v30 =	vsel vm2, v31, v30;
	v10 =	vsel vm2, v42, v10;
	v31, v40, _ =	vpop (xrf1)  }
0x124: {  	v41 =	vsel vm1, v27, v47;
	v42 =	vsel vm1, v28, v48;
	v27 =	vsel vm1, v47, v27;
	v43, v44, _ =	vpop (xrf1)  }
0x125: {  	v46 =	vsel vm3, v26, v37;
	v25 =	vsel vm3, v33, v25;
	v28 =	vsel vm1, v48, v28;
	v47, v48, _ =	vpop (xrf1)  }
0x126: {  	v26 =	vsel vm3, v37, v26;
	v38 =	vperm.xlane v38, v5;
	(xrf1) =	vsort.ascd.msk.f32 $0xffff, v32, v34;
	v32, v33, _ =	vpop (xrf1)  }
0x127: {  	(xrf1) =	vsort.ascd.msk.f32 $0xffff, v29, v9;
	v9 =	vperm.xlane v48, v5;
	v29 =	vperm.xlane v44, v5;
	v34, v37, _ =	vpop (xrf1)  }
0x128: {  	v48 =	vperm.xlane v33, v5;
	(xrf1) =	vsort.ascd.msk.f32 $0xffff, v35, v39;
	v35 =	vperm.xlane v40, v5;
	v39, v40, _ =	vpop (xrf1)  }
0x129: {  	v44 =	vperm.xlane v37, v5;
	(xrf1) =	vsort.ascd.msk.f32 $0xffff, v30, v10;
	v40 =	vperm.xlane v40, v5;
	v10, v30, _ =	vpop (xrf1)  }
0x12a: {  	(xrf1) =	vsort.ascd.msk.f32 $0xffff, v41, v42;
	v42 =	vperm.xlane v30, v5;
	v30 =	vperm.xlane v31, v5  }
0x12b: {  	v31 =	vperm.xlane v36, v5;
	v36 =	vperm.xlane v39, v5  }
0x12c: {  	(xrf1) =	vsort.ascd.msk.f32 $0xffff, v27, v28;
	v27 =	vperm.xlane v47, v5;
	v28 =	vperm.xlane v43, v5  }
0x12d: {  	v39 =	vperm.xlane v34, v5;
	v41 =	vperm.xlane v10, v5;
	(xrf1) =	vsort.ascd.msk.f32 $0xffff, v45, v46  }
0x12e: {  	v43 =	vperm.xlane v32, v5;
	vm2 =	vge.f32 v24, v30;
	(xrf1) =	vsort.ascd.msk.f32 $0xffff, v25, v26  }
0x12f: {  	vm3 =	vge.f32 v16, v31;
	vm0 =	vge.f32 v14, v27;
	vm1 =	vge.f32 v7, v28  }
0x130: {  	v16 =	vsel vm3, v16, v31;
	v10 =	vsel vm0, v14, v27;
	v32 =	vsel vm0, v12, v9  }
0x131: {  	v27 =	vsel vm1, v23, v29;
	v23 =	vsel vm1, v7, v28;
	v9 =	vsel vm2, v24, v30  }
0x132: {  	v33 =	vsel vm2, v8, v35;
	vm2 =	vge.f32 v10, v9;
	vm1 =	vge.f32 v23, v16  }
0x133: {  	v26 =	vsel vm2, v10, v9;
	v28 =	vsel vm1, v23, v16  }
0x134: {  	v13 =	vsel vm3, v13, v38;
	vm0 =	vge.f32 v26, v28  }
0x135: {  	v29 =	vsel vm2, v32, v33;
	v31 =	vsel vm1, v27, v13;
	v30 =	vsel vm0, v26, v28;
	v7, v12, _ =	vpop (xrf1)  }
0x136: {  	v34 =	vsel vm2, v9, v10;
	v25 =	vsel vm0, v29, v31;
	v8, v14, _ =	vpop (xrf1)  }
0x137: {  	vm3 =	vge.f32 v18, v36;
	v35 =	vsel vm1, v16, v23;
	v9, v24, _ =	vpop (xrf1);
	(xrf1) =	vsort.ascd.msk.f32 $0xffff, v30, v25  }
0x138: {  	vm4 =	vge.f32 v19, v39;
	vm5 =	vge.f32 v22, v41;
	vm6 =	vge.f32 v15, v43;
	v10, v23, _ =	vpop (xrf1)  }
.Ltmp8:
0x139: {  	v38 =	vsel vm3, v18, v36;
	v37 =	vsel vm3, v17, v40;
	v36 =	vsel vm4, v21, v44;
	v25, v30, _ =	vpop (xrf1);
	(pc) =	sbr.rel @p0 .LBB2_19-.Ltmp8, $4  }
0x13a: {  	v39 =	vsel vm4, v19, v39;
	v41 =	vsel vm5, v22, v41;
	v40 =	vsel vm6, v15, v43;
	v17, v21, _ =	vpop (xrf1)  }
0x13b: {  	v42 =	vsel vm5, v20, v42;
	vm5 =	vge.f32 v38, v41;
	vm3 =	vge.f32 v39, v40;
	v18, v19, _ =	vpop (xrf1)  }
0x13c: {  	v44 =	vsel vm6, v11, v48;
	v16 =	vsel vm5, v38, v41;
	v43 =	vsel vm3, v39, v40;
	v20, v22, _ =	vpop (xrf1)  }
0x13d: {  	s21 =	sadd.s32 $0x40, s21;
	v11 =	vsel vm5, v37, v42;
	v15 =	vsel vm3, v36, v44;
	vm4 =	vge.f32 v16, v43  }
0x13e: {  	v38 =	vsel vm5, v41, v38;
	v54 =	vsel vm4, v16, v43;
	v45 =	vsel vm4, v11, v15  }
0x13f: {  	v37 =	vsel vm5, v42, v37;
	v39 =	vsel vm3, v40, v39;
	v36 =	vsel vm3, v44, v36  }
0x140: {  	v55 =	vsel vm4, v43, v16;
	v57 =	vsel vm4, v15, v11;
	v58 =	vsel vm2, v33, v32  }
0x141: {  	v62 =	vsel vm0, v28, v26;
	v21 =	vperm.xlane v21, v5;
	v28 =	vperm.xlane v30, v5  }
0x142: {  	v63 =	vsel vm0, v31, v29;
	v22 =	vperm.xlane v22, v5;
	v29 =	vperm.xlane v17, v5  }
0x143: {  	vm14 =	vge.f32 v34, v35;
	v30 =	vperm.xlane v25, v5;
	v31 =	vperm.xlane v20, v5  }
0x144: {  	v13 =	vsel vm1, v13, v27;
	v32 =	vperm.xlane v18, v5;
	v33 =	vperm.xlane v19, v5  }
0x145: {  	(xrf1) =	vsort.ascd.msk.f32 $0xffff, v54, v45;
	vm13 =	vge.f32 v38, v39;
	v59 =	vsel vm14, v35, v34  }
0x146: {  	v60 =	vsel vm14, v13, v58;
	v61 =	vsel vm14, v34, v35;
	v13 =	vsel vm14, v58, v13  }
0x147: {  	v40 =	vsel vm13, v39, v38;
	v56 =	vsel vm13, v36, v37;
	v38 =	vsel vm13, v38, v39  }
0x148: {  	v36 =	vsel vm13, v37, v36;
	vm15 =	vge.f32 v7, v29;
	vm6 =	vge.f32 v8, v30  }
0x149: {  	vm7 =	vge.f32 v9, v31;
	vm8 =	vge.f32 v10, v32;
	(xrf1) =	vsort.ascd.msk.f32 $0xffff, v40, v56  }
0x14a: {  	v34 =	vsel vm15, v21, v12;
	v35 =	vsel vm15, v12, v21;
	v11 =	vsel vm6, v14, v28  }
0x14b: {  	v37 =	vsel vm7, v22, v24;
	v40 =	vsel vm15, v29, v7;
	v7 =	vsel vm15, v7, v29  }
0x14c: {  	v41 =	vsel vm8, v23, v33;
	v42 =	vsel vm6, v30, v8;
	v8 =	vsel vm6, v8, v30  }
0x14d: {  	v43 =	vsel vm7, v31, v9;
	v44 =	vsel vm7, v9, v31;
	(xrf1) =	vsort.ascd.msk.f32 $0xffff, v38, v36  }
0x14e: {  	v46 =	vsel vm8, v10, v32;
	v36 =	vsel vm6, v28, v14;
	(xrf1) =	vsort.ascd.msk.f32 $0xffff, v55, v57  }
0x14f: {  	v38 =	vsel vm7, v24, v22;
	vm9 =	vge.f32 v40, v42;
	(xrf1) =	vsort.ascd.msk.f32 $0xffff, v59, v60  }
0x150: {  	vm1 =	vge.f32 v7, v8;
	vm3 =	vge.f32 v44, v46;
	(xrf1) =	vsort.ascd.msk.f32 $0xffff, v61, v13  }
0x151: {  	v47 =	vsel vm9, v42, v40;
	v48 =	vsel vm9, v36, v34;
	(xrf1) =	vsort.ascd.msk.f32 $0xffff, v62, v63  }
0x152: {  	v18 =	vsel vm9, v40, v42;
	v19 =	vsel vm9, v34, v36;
	(xrf1) =	vsort.ascd.msk.f32 $0xffff, v47, v48  }
0x153: {  	v49 =	vsel vm1, v8, v7;
	v50 =	vsel vm1, v11, v35;
	(xrf1) =	vsort.ascd.msk.f32 $0xffff, v18, v19  }
0x154: {  	v7 =	vsel vm1, v7, v8;
	v8 =	vsel vm1, v35, v11;
	(xrf1) =	vsort.ascd.msk.f32 $0xffff, v49, v50  }
0x155: {  	v45 =	vsel vm8, v32, v10;
	(xrf1) =	vsort.ascd.msk.f32 $0xffff, v7, v8;
	v8 =	vsel vm3, v41, v38  }
0x156: {  	v39 =	vsel vm8, v33, v23;
	vm10 =	vge.f32 v43, v45;
	v7 =	vsel vm3, v46, v44  }
0x157: {  	v51 =	vsel vm10, v45, v43;
	v52 =	vsel vm10, v39, v37;
	v9 =	vsel vm3, v44, v46  }
0x158: {  	(xrf1) =	vsort.ascd.msk.f32 $0xffff, v51, v52  }
0x159: {  	v53 =	vsel vm3, v38, v41;
	(xrf1) =	vsort.ascd.msk.f32 $0xffff, v7, v8;
	v7, v8, _ =	vpop (xrf1)  }
0x15a: {  	(xrf1) =	vsort.ascd.msk.f32 $0xffff, v9, v53;
	v9, v10, _ =	vpop (xrf1)  }
0x15b: {  	v11, v12, _ =	vpop (xrf1)  }
0x15c: {  	v54 =	vsel vm10, v43, v45;
	v55 =	vsel vm10, v37, v39;
	v13, v14, _ =	vpop (xrf1)  }
0x15d: {  	(xrf1) =	vsort.ascd.msk.f32 $0xffff, v54, v55;
	v15, v16, _ =	vpop (xrf1)  }
0x15e: {  	v57, v56, _ =	vpop (xrf1)  }
0x15f: {  	v58, v59, _ =	vpop (xrf1)  }
0x160: {  	v60, v61, _ =	vpop (xrf1)  }
0x161: {  	v23, v62, _ =	vpop (xrf1)  }
0x162: {  	v63, v39, _ =	vpop (xrf1);
	v24 =	vperm.xlane v62, v5;
	v23 =	vperm.xlane v23, v5  }
0x163: {  	v41, v40, _ =	vpop (xrf1);
	v26 =	vperm.xlane v39, v5;
	v25 =	vperm.xlane v63, v5  }
0x164: {  	v42, v43, _ =	vpop (xrf1);
	v28 =	vperm.xlane v40, v5;
	v27 =	vperm.xlane v41, v5  }
0x165: {  	vm14 =	vge.f32 v7, v23;
	v30 =	vperm.xlane v43, v5;
	v29 =	vperm.xlane v42, v5  }
0x166: {  	v45, v44, _ =	vpop (xrf1);
	vm13 =	vge.f32 v60, v25;
	v7 =	vsel vm14, v7, v23;
	v8 =	vsel vm14, v8, v24  }
0x167: {  	v46, v47, _ =	vpop (xrf1);
	v32 =	vperm.xlane v44, v5;
	v31 =	vperm.xlane v45, v5;
	vm12 =	vge.f32 v58, v27  }
0x168: {  	v21 =	vsel vm13, v60, v25;
	v22 =	vsel vm13, v61, v26;
	v34 =	vperm.xlane v47, v5  }
0x169: {  	v49, v48, _ =	vpop (xrf1);
	v33 =	vperm.xlane v46, v5;
	vm11 =	vge.f32 v57, v29;
	v20 =	vsel vm12, v59, v28  }
0x16a: {  	v19 =	vsel vm12, v58, v27;
	v36 =	vperm.xlane v48, v5;
	v35 =	vperm.xlane v49, v5  }
0x16b: {  	v50, v51, _ =	vpop (xrf1);
	v17 =	vsel vm11, v57, v29;
	v18 =	vsel vm11, v56, v30;
	vm1 =	vge.f32 v19, v7  }
0x16c: {  	vm6 =	vge.f32 v9, v31;
	v38 =	vperm.xlane v51, v5;
	v37 =	vperm.xlane v50, v5  }
0x16d: {  	vm15 =	vge.f32 v17, v21;
	v53 =	vsel vm1, v19, v7;
	v55 =	vsel vm1, v20, v8  }
0x16e: {  	v7 =	vsel vm1, v7, v19;
	vm10 =	vge.f32 v13, v33;
	v9 =	vsel vm6, v9, v31  }
0x16f: {  	v10 =	vsel vm6, v10, v32;
	v8 =	vsel vm1, v8, v20;
	v52 =	vsel vm15, v17, v21  }
0x170: {  	v54 =	vsel vm15, v18, v22;
	v17 =	vsel vm15, v21, v17;
	vm9 =	vge.f32 v11, v35  }
0x171: {  	v14 =	vsel vm10, v14, v34;
	v13 =	vsel vm10, v13, v33;
	v31 =	vsel vm15, v22, v18  }
0x172: {  	vm0 =	vge.f32 v52, v53;
	vm11 =	vge.f32 v15, v37;
	v11 =	vsel vm9, v11, v35  }
0x173: {  	v12 =	vsel vm9, v12, v36;
	vm4 =	vge.f32 v13, v9;
	vm15 =	vge.f32 v17, v7  }
0x174: {  	v56 =	vsel vm0, v52, v53;
	v57 =	vsel vm0, v54, v55;
	v15 =	vsel vm11, v15, v37  }
0x175: {  	v16 =	vsel vm11, v16, v38;
	v59 =	vsel vm4, v13, v9;
	v61 =	vsel vm4, v14, v10  }
0x176: {  	v9 =	vsel vm4, v9, v13;
	v10 =	vsel vm4, v10, v14;
	vm12 =	vge.f32 v11, v15  }
0x177: {  	(xrf1) =	vsort.ascd.msk.f32 $0xffff, v56, v57;
	v58 =	vsel vm12, v11, v15;
	v60 =	vsel vm12, v12, v16  }
0x178: {  	v11 =	vsel vm12, v15, v11;
	v12 =	vsel vm12, v16, v12;
	vm13 =	vge.f32 v58, v59  }
0x179: {  	vm14 =	vge.f32 v11, v9;
	v62 =	vsel vm13, v58, v59;
	v63 =	vsel vm13, v60, v61  }
0x17a: {  	v21 =	vsel vm14, v9, v11;
	v29 =	vsel vm14, v10, v12;
	(xrf1) =	vsort.ascd.msk.f32 $0xffff, v62, v63  }
0x17b: {  	v9 =	vsel vm14, v11, v9;
	v10 =	vsel vm14, v12, v10;
	(xrf1) =	vsort.ascd.msk.f32 $0xffff, v21, v29  }
0x17c: {  	v19 =	vsel vm13, v59, v58;
	v30 =	vsel vm13, v61, v60;
	(xrf1) =	vsort.ascd.msk.f32 $0xffff, v9, v10  }
0x17d: {  	v32 =	vsel vm15, v7, v17;
	v33 =	vsel vm15, v8, v31;
	(xrf1) =	vsort.ascd.msk.f32 $0xffff, v19, v30  }
0x17e: {  	v7 =	vsel vm15, v17, v7;
	v8 =	vsel vm15, v31, v8;
	(xrf1) =	vsort.ascd.msk.f32 $0xffff, v32, v33  }
0x17f: {  	v34 =	vsel vm0, v53, v52;
	v35 =	vsel vm0, v55, v54;
	(xrf1) =	vsort.ascd.msk.f32 $0xffff, v7, v8  }
0x180: {  	(xrf1) =	vsort.ascd.msk.f32 $0xffff, v34, v35;
	_ =	sdelay $0x6  }
0x181: {  	v7, v8, _ =	vpop (xrf1)  }
0x182: {  	v7, v36, _ =	vpop (xrf1)  }
0x183: {  	v7, v37, _ =	vpop (xrf1)  }
0x184: {  	v7, v38, _ =	vpop (xrf1)  }
0x185: {  	v7, v39, _ =	vpop (xrf1)  }
0x186: {  	v50 =	vshll.u32 v8, $0x3;
	v7, v40, _ =	vpop (xrf1)  }
0x187: {  	v43 =	vperm.xlane v8, v5;
	v8 =	vand.u32 $0x7F, v8;
	v21 =	vand.u32 $0xFFFFFC00, v50;
	v7, v41, _ =	vpop (xrf1)  }
0x188: {  	v8 =	vor.u32 v21, v8;
	v52 =	vperm.xlane v36, v5;
	v62 =	vshll.u32 v36, $0x3;
	v7, v42, _ =	vpop (xrf1)  }
0x189: {  	v9 =	vand.u32 $0x7F, v36;
	v45 =	vand.u32 $0x7F, v40;
	v7 =	vmov s20  }
0x18a: {  	v46 =	vshll.u32 v40, $0x3;
	v13 =	vperm.xlane v40, v5;
	v7 =	vshll.u32 v7, $0x7  }
0x18b: {  	v19 =	vand.u32 $0xFFFFFC00, v46;
	v47 =	vshll.u32 v41, $0x3;
	v7 =	vand.u32 $0x300, v7  }
0x18c: {  	v48 =	vand.u32 $0x7F, v41;
	v18 =	vor.u32 v19, v45;
	v7 =	vbroadcast v7, $0x0  }
0x18d: {  	v20 =	vand.u32 $0xFFFFFC00, v47;
	v49 =	vand.u32 $0x7F, v42;
	v15 =	vshll.u32 v42, $0x3  }
0x18e: {  	v19 =	vor.u32 v20, v48;
	v15 =	vand.u32 $0xFFFFFC00, v15;
	v18 =	vor.u32 v7, v18  }
0x18f: {  	[tilespmem:s16+$0x4000] =	vst v43;
	v14 =	vperm.xlane v41, v5;
	v15 =	vor.u32 v15, v49;
	v51 =	vor.u32 v7, v19  }
0x190: {  	v54 =	vand.u32 $0x7F, v37;
	v44 =	vperm.xlane v42, v5;
	[tilespmem:s16+$0x4030] =	vst v13;
	v15 =	vor.u32 v7, v15  }
0x191: {  	v55 =	vshll.u32 v37, $0x3;
	[tilespmem:s16+$0x4020] =	vst v14;
	v7 =	vor.u32 v7, v8;
	v8 =	vmov s18  }
0x192: {  	v63 =	vand.u32 $0xFFFFFC00, v62;
	v56 =	vand.u32 $0xFFFFFC00, v55;
	[tilespmem:s16+$0x4010] =	vst v44;
	v8 =	vshll.u32 v8, $0x7  }
0x193: {  	v57 =	vshll.u32 v38, $0x3;
	v58 =	vand.u32 $0x7F, v38;
	v8 =	vand.u32 $0x380, v8;
	[tilespmem:v18+s9+$0x0] =	vst.idx.msk $0xffff, v6  }
0x194: {  	v53 =	vperm.xlane v39, v5;
	v60 =	vshll.u32 v39, $0x3;
	v8 =	vbroadcast v8, $0x0;
	[tilespmem:v51+s9+$0x0] =	vst.idx.msk $0xffff, v6  }
0x195: {  	v61 =	vand.u32 $0xFFFFFC00, v60;
	v13 =	vor.u32 v56, v54;
	v19 =	vand.u32 $0xFFFFFC00, v57;
	[tilespmem:v15+s9+$0x0] =	vst.idx.msk $0xffff, v6  }
0x196: {  	v16 =	vor.u32 v19, v58;
	v13 =	vor.u32 v8, v13;
	[tilespmem:v7+s9+$0x0] =	vst.idx.msk $0xffff, v6;
	v7 =	vand.u32 $0x7F, v39  }
0x197: {  	v11 =	vperm.xlane v38, v5;
	v59 =	vor.u32 v8, v16;
	[tilespmem:s17+$0x4000] =	vst v52;
	v7 =	vor.u32 v61, v7  }
0x198: {  	s15 =	sadd.s32 $0x1, s15;
	v10 =	vperm.xlane v37, v5;
	v9 =	vor.u32 v63, v9;
	[tilespmem:s17+$0x4010] =	vst v53;
	v7 =	vor.u32 v8, v7  }
0x199: {  	p0 =	sne.s32 s15, $0x4;
	[tilespmem:s17+$0x4020] =	vst v11;
	v8 =	vor.u32 v8, v9  }
.Ltmp9:
0x19a: {  	[tilespmem:s17+$0x4030] =	vst v10;
	(pc) =	sbr.rel @p0 .LBB2_18-.Ltmp9, $4  }
0x19b: {  	[tilespmem:v13+s9+$0x0] =	vst.idx.msk $0xffff, v6  }
0x19c: {  	[tilespmem:v59+s9+$0x0] =	vst.idx.msk $0xffff, v6  }
0x19d: {  	[tilespmem:v7+s9+$0x0] =	vst.idx.msk $0xffff, v6  }
0x19e: {  	[tilespmem:v8+s9+$0x0] =	vst.idx.msk $0xffff, v6  }
0x19f: {  	s14 =	sshll.u32 s14, $0x7  }
0x1a0: {  	s15 =	sadd.s32 s5, s14;
	s14 =	simm.s32 $0x0  }
0x1a1: {  	[hbm4b:s15+s14] =	stream.linear.scatter [tilespmem:s10], [sflag:$0x1], $0x400, $0x38;
	[tilespmem:$0x8400] =	vst v63  }
0x1a2: {  	_ =	swait.ge [sflag:s8], $0x400  }
0x1a3: {  	[sflag:s8] =	ssyncset.done $0x0  }
0x1a4: {  	s13 =	sadd.s32 s2, s13;
	[sflag:s8] =	ssyncadd.s32 $0xFFFFFC00  }
0x1a5: {  	[hbm4b:s13+s14] =	stream.linear.scatter [tilespmem:s9], [sflag:$0x1], $0x4000, $0x38;
	[tilespmem:$0x8400] =	vst v63  }
0x1a6: {  	_ =	swait.ge [sflag:s8], $0x4000  }
0x1a7: {  	[sflag:s8] =	ssyncset.done $0x0  }
0x1a8: {  	s13 =	simm.s32 $0x4020;
	[sflag:s8] =	ssyncadd.s32 $0xFFFFC000  }
.LBB2_22:
0x1a9: {  	v7 =	vld [tilespmem:s13+$0xFFFFFFE0];
	_ =	sdelay $0x2  }
0x1aa: {  	v8 =	vmov s14  }
0x1ab: {  	v8 =	vshll.u32 v8, $0x7  }
0x1ac: {  	v8 =	vand.u32 $0x380, v8;
	v9 =	vshll.u32 v7, $0x3  }
0x1ad: {  	v8 =	vbroadcast v8, $0x0;
	v7 =	vand.u32 $0x7F, v7;
	v9 =	vand.u32 $0xFFFFFC00, v9  }
0x1ae: {  	v7 =	vor.u32 v9, v7  }
0x1af: {  	v7 =	vor.u32 v8, v7;
	_ =	sdelay $0x4  }
0x1b0: {  	[tilespmem:v7+s9+$0x0] =	vst.idx.msk $0xffff, v1  }
0x1b1: {  	v7 =	vld [tilespmem:s13+$0xFFFFFFF0];
	_ =	sdelay $0x4  }
0x1b2: {  	v61 =	vshll.u32 v7, $0x3  }
0x1b3: {  	v7 =	vand.u32 $0x7F, v7;
	v9 =	vand.u32 $0xFFFFFC00, v61  }
0x1b4: {  	v7 =	vor.u32 v9, v7  }
0x1b5: {  	v7 =	vor.u32 v8, v7;
	_ =	sdelay $0x4  }
0x1b6: {  	[tilespmem:v7+s9+$0x0] =	vst.idx.msk $0xffff, v1  }
0x1b7: {  	v7 =	vld [tilespmem:s13+$0x0];
	_ =	sdelay $0x4  }
0x1b8: {  	v62 =	vshll.u32 v7, $0x3  }
0x1b9: {  	v7 =	vand.u32 $0x7F, v7;
	v9 =	vand.u32 $0xFFFFFC00, v62  }
0x1ba: {  	v7 =	vor.u32 v9, v7  }
0x1bb: {  	v7 =	vor.u32 v8, v7;
	_ =	sdelay $0x4  }
0x1bc: {  	[tilespmem:v7+s9+$0x0] =	vst.idx.msk $0xffff, v1  }
0x1bd: {  	v7 =	vld [tilespmem:s13+$0x10];
	_ =	sdelay $0x4  }
0x1be: {  	v63 =	vshll.u32 v7, $0x3  }
0x1bf: {  	v7 =	vand.u32 $0x7F, v7;
	v9 =	vand.u32 $0xFFFFFC00, v63  }
0x1c0: {  	v7 =	vor.u32 v9, v7  }
0x1c1: {  	p0 =	sne.s32 s14, $0x7;
	v7 =	vor.u32 v8, v7  }
.Ltmp10:
0x1c2: {  	_ = 	snop;
	(pc) =	sbr.rel @p0 .LBB2_22-.Ltmp10, $2  }
0x1c3: {  	_ =	sdelay $0x2  }
0x1c4: {  	s14 =	sadd.s32 $0x1, s14;
	s13 =	sadd.s32 $0x80, s13;
	[tilespmem:v7+s9+$0x0] =	vst.idx.msk $0xffff, v1  }
0x1c5: {  	s12 =	sadd.s32 $0x1, s12  }
0x1c6: {  	p0 =	sne.s32 s12, $0x8  }
.Ltmp11:
0x1c7: {  	_ = 	snop;
	(pc) =	sbr.rel @p0 .LBB2_17-.Ltmp11, $1  }
0x1c8: {  	_ =	sdelay $0x3  }
0x1c9: {  	s11 =	sadd.s32 $0x1, s11  }
0x1ca: {  	p0 =	sne.s32 s11, s7  }
.Ltmp12:
0x1cb: {  	_ = 	snop;
	(pc) =	sbr.rel @p0 .LBB2_1-.Ltmp12, $1  }
0x1cc: {  	_ =	sdelay $0x3  }
0x1cd: {  	_ =	sfence.sel $0x180000  }
0x1ce: {  	[bflag:$0x0] =	sbarrier.arrive $0xFFFF  }
0x1cf: {  	p0 =	sne.s32 s4, $0x0;
	_ =	strace $0x90000047  }
0x1d0: {  	s0 =	sadd.s32 @!p0 $0x100000, s0;
	[bflag:$0x2] =	sbarrier.arrive $0xFFFF  }
0x1d1: {  	[sflag:s0] =	ssyncadd.tile.s32 @!p0 $0x1;
	_ =	shalt  }
.Lfunc_end2:
_tile_overlayer_lowered:
.L_overlay_start_2:
0x1d2: {  	(tag) =	ssettag $0x2  }
0x1d3: {  	s0 =	rddreg [dreg:$0x0];
	s2 =	stileid.u32  }
0x1d4: {  	s1 =	rddreg [dreg:$0x1];
	p0 =	sne.s32 s2, $0x0  }
0x1d5: {  	s3 =	rddreg [dreg:$0x2];
	[bflag:$0x3] =	sbarrier.arrive $0xFFFF;
	s2 =	simm.s32 @!p0 $0x1C01  }
0x1d6: {  	[timem:s3], [sflag:s2] =	dma.local @!p0 [hbm:s0], s1  }
0x1d7: {  	s0 =	simm.s32 @!p0 $0x1  }
0x1d8: {  	_ =	swait.ge @!p0 [sflag:s0], s1  }
0x1d9: {  	s1 =	ssub.s32 @!p0 $0x0, s1;
	[sflag:s0] =	ssyncset.done @!p0 $0x0  }
0x1da: {  	[sflag:s0] =	ssyncadd.s32 @!p0 s1  }
0x1db: {  	[bflag:$0x3] =	sbarrier.arrive $0xFFFF  }
0x1dc: {  	_ =	shalt  }

</sc_bundles>
